<compile_context>
chip_gen: v7x
topology: tpu7x:2x2x1
jax: 0.10.2.dev20260603
libtpu: 0.0.44.dev20260713+nightly
codegen_flags: <defaults>
</compile_context>

<pallas_src>
import functools

import jax
import jax.numpy as jnp
from jax import lax
from jax.experimental import pallas as pl
from jax.experimental.pallas import tpu as pltpu
from jax.experimental.pallas import tpu_sc as plsc

B, S, H = 4, 8192, 1024
NC, NS, L = 2, 16, 16
NW = NC * NS
S_PER_W = S // NW
CS = 16
CHUNKS = S_PER_W // CS
CW = CS * H


@functools.cache
def _build():
    mesh = plsc.VectorSubcoreMesh(
        core_axis_name="c", subcore_axis_name="s", num_cores=NC, num_subcores=NS
    )

    @functools.partial(
        pl.kernel,
        out_type=jax.ShapeDtypeStruct((B, S * H), jnp.float32),
        mesh=mesh,
        scratch_types=[
            pltpu.VMEM((CW,), jnp.float32),
            [pltpu.VMEM((CW,), jnp.float32) for _ in range(B)],
        ],
    )
    def _pos_add(x_hbm, t_hbm, o_hbm, t_v, x_vs):
        wid = lax.axis_index("s") * NC + lax.axis_index("c")
        base = wid * (S_PER_W * H)

        @pl.loop(0, CHUNKS)
        def _chunk(c):
            off = base + c * CW
            pltpu.sync_copy(t_hbm.at[pl.ds(off, CW)], t_v)
            for b in range(B):
                pltpu.sync_copy(x_hbm.at[b, pl.ds(off, CW)], x_vs[b])

            @pl.loop(0, CW, step=L, unroll=4)
            def _grp(i):
                t = t_v[pl.ds(i, L)]
                for b in range(B):
                    x_vs[b][pl.ds(i, L)] = x_vs[b][pl.ds(i, L)] + t

            for b in range(B):
                pltpu.sync_copy(x_vs[b], o_hbm.at[b, pl.ds(off, CW)])

    return _pos_add


def kernel(x, pos_table):
    xf = x.reshape(B, S * H)
    tf = pos_table[:S].reshape(S * H)
    out = _build()(xf, tf)
    return out.reshape(B, S, H)

# --- scband reference (transcript-rebuilt; emitter-appended) ---
"""Pipeline reference for scband-learned-positional-encoding-43997644980316 (READ-ONLY COPY).

The authoritative reference and input builder live on the scoring server;
editing this copy changes nothing except your own understanding.
"""

import jax, jax.numpy as jnp
import numpy as np

B, S, H = 4, 8192, 1024
MAX_LEN = 8192

def setup_inputs(seed: int = 0) -> dict:
    key = jax.random.key(seed)
    k_x, k_w = jax.random.split(key)
    x = jax.random.normal(k_x, (B, S, H), dtype=jnp.float32)
    # xavier_uniform for embedding weight [MAX_LEN, H]
    limit = float(np.sqrt(6.0 / (MAX_LEN + H)))
    pos_table = jax.random.uniform(k_w, (MAX_LEN, H), dtype=jnp.float32, minval=-limit, maxval=limit)
    return {"x": x, "pos_table": pos_table}

def reference(x, pos_table):
    seq_length = x.shape[1]
    position_ids = jnp.arange(seq_length, dtype=jnp.int32)
    position_ids = jnp.broadcast_to(position_ids[None, :], (x.shape[0], seq_length))
    position_embeddings = jnp.take(pos_table, position_ids, axis=0)
    out = x + position_embeddings
    # dropout p=0.0 (eval / disabled) -> identity
    return out

if __name__ == "__main__":
    import jax
    _d = setup_inputs()
    print(jax.jit(kernel)(*tuple(_d.values())))

</pallas_src>

<mosaic_0001>
#map = affine_map<(d0, d1) -> (0, 0)>
#map1 = affine_map<(d0, d1) -> (0)>
module attributes {stable_mosaic.version = 14 : i64} {
  func.func @_pos_add(%arg0: i32, %arg1: i32, %arg2: memref<4x8388608xf32, #tpu.memory_space<hbm>>, %arg3: memref<8388608xf32, #tpu.memory_space<hbm>>, %arg4: memref<4x8388608xf32, #tpu.memory_space<hbm>>, %arg5: memref<16384xf32, #tpu.memory_space<vmem>>, %arg6: memref<16384xf32, #tpu.memory_space<vmem>>, %arg7: memref<16384xf32, #tpu.memory_space<vmem>>, %arg8: memref<16384xf32, #tpu.memory_space<vmem>>, %arg9: memref<16384xf32, #tpu.memory_space<vmem>>) attributes {dimension_semantics = [#tpu.dimension_semantics<core_parallel>, #tpu.dimension_semantics<subcore_parallel>], iteration_bounds = array<i64: 2, 16>, scalar_prefetch = 0 : i64, scratch_operands = 5 : i64, tpu.core_type = #tpu.core_type<sc_vector_subcore>, window_params = [{transform_indices = #map}, {transform_indices = #map1}, {transform_indices = #map}]} {
    %mul3A = arith.constant 2 : i32
    %mul3A_0 = arith.muli %arg1, %mul3A : i32
    %add3A = arith.addi %mul3A_0, %arg0 : i32
    %mul3A_1 = arith.constant 262144 : i32
    %mul3A_2 = arith.muli %add3A, %mul3A_1 : i32
    %scan3A = arith.constant 0 : i32
    %scan3A_3 = arith.constant 16 : i32
    %scan3A_4 = arith.addi %scan3A, %scan3A_3 : i32
    %scan3A_5 = arith.constant 1 : i32
    scf.for %scan3A_7 = %scan3A to %scan3A_4 step %scan3A_5  : i32 {
      %mul3A_8 = arith.constant 1 : i32
      %mul3A_9 = arith.muli %scan3A_7, %mul3A_8 : i32
      %add3A_10 = arith.constant 0 : i32
      %add3A_11 = arith.addi %add3A_10, %mul3A_9 : i32
      %mul3A_12 = arith.constant 16384 : i32
      %mul3A_13 = arith.muli %add3A_11, %mul3A_12 : i32
      %add3A_14 = arith.addi %mul3A_2, %mul3A_13 : i32
      "tpu.region"() ({
        %run_scoped3A_27 = tpu.sem_alloc : memref<!tpu.dma_semaphore, #tpu.memory_space<semaphore_mem>>
        %dma_start3A = tpu.memref_slice %arg3[%add3A_14] : memref<8388608xf32, #tpu.memory_space<hbm>> -> memref<16384xf32, #tpu.memory_space<hbm>>
        %dma_start3A_28 = tpu.memref_slice %arg3[%add3A_14] : memref<8388608xf32, #tpu.memory_space<hbm>> -> memref<16384xf32, #tpu.memory_space<hbm>>
        tpu.enqueue_dma source(%dma_start3A_28 : memref<16384xf32, #tpu.memory_space<hbm>>) target(%arg5 : memref<16384xf32, #tpu.memory_space<vmem>>) target_semaphore(%run_scoped3A_27 : memref<!tpu.dma_semaphore, #tpu.memory_space<semaphore_mem>>)
        %dma_wait3A = tpu.memref_slice %arg3[%add3A_14] : memref<8388608xf32, #tpu.memory_space<hbm>> -> memref<16384xf32, #tpu.memory_space<hbm>>
        %dma_wait3A_29 = tpu.memref_slice %arg3[%add3A_14] : memref<8388608xf32, #tpu.memory_space<hbm>> -> memref<16384xf32, #tpu.memory_space<hbm>>
        tpu.wait_dma2 semaphore(%run_scoped3A_27 : memref<!tpu.dma_semaphore, #tpu.memory_space<semaphore_mem>>) src(%dma_wait3A_29 : memref<16384xf32, #tpu.memory_space<hbm>>) dst(%arg5 : memref<16384xf32, #tpu.memory_space<vmem>>)
        tpu.yield
      }) : () -> ()
      %run_scoped3A = arith.constant 0 : i32
      "tpu.region"() ({
        %run_scoped3A_27 = tpu.sem_alloc : memref<!tpu.dma_semaphore, #tpu.memory_space<semaphore_mem>>
        %dma_start3A = tpu.memref_slice %arg2[%run_scoped3A, %add3A_14] : memref<4x8388608xf32, #tpu.memory_space<hbm>> -> memref<1x16384xf32, #tpu.memory_space<hbm>>
        %dma_start3A_28 = tpu.memref_squeeze %dma_start3A : memref<1x16384xf32, #tpu.memory_space<hbm>> -> memref<16384xf32, #tpu.memory_space<hbm>>
        %dma_start3A_29 = tpu.memref_slice %arg2[%run_scoped3A, %add3A_14] : memref<4x8388608xf32, #tpu.memory_space<hbm>> -> memref<1x16384xf32, #tpu.memory_space<hbm>>
        %dma_start3A_30 = tpu.memref_squeeze %dma_start3A_29 : memref<1x16384xf32, #tpu.memory_space<hbm>> -> memref<16384xf32, #tpu.memory_space<hbm>>
        tpu.enqueue_dma source(%dma_start3A_30 : memref<16384xf32, #tpu.memory_space<hbm>>) target(%arg6 : memref<16384xf32, #tpu.memory_space<vmem>>) target_semaphore(%run_scoped3A_27 : memref<!tpu.dma_semaphore, #tpu.memory_space<semaphore_mem>>)
        %dma_wait3A = tpu.memref_slice %arg2[%run_scoped3A, %add3A_14] : memref<4x8388608xf32, #tpu.memory_space<hbm>> -> memref<1x16384xf32, #tpu.memory_space<hbm>>
        %dma_wait3A_31 = tpu.memref_squeeze %dma_wait3A : memref<1x16384xf32, #tpu.memory_space<hbm>> -> memref<16384xf32, #tpu.memory_space<hbm>>
        %dma_wait3A_32 = tpu.memref_slice %arg2[%run_scoped3A, %add3A_14] : memref<4x8388608xf32, #tpu.memory_space<hbm>> -> memref<1x16384xf32, #tpu.memory_space<hbm>>
        %dma_wait3A_33 = tpu.memref_squeeze %dma_wait3A_32 : memref<1x16384xf32, #tpu.memory_space<hbm>> -> memref<16384xf32, #tpu.memory_space<hbm>>
        tpu.wait_dma2 semaphore(%run_scoped3A_27 : memref<!tpu.dma_semaphore, #tpu.memory_space<semaphore_mem>>) src(%dma_wait3A_33 : memref<16384xf32, #tpu.memory_space<hbm>>) dst(%arg6 : memref<16384xf32, #tpu.memory_space<vmem>>)
        tpu.yield
      }) : () -> ()
      %run_scoped3A_15 = arith.constant 1 : i32
      "tpu.region"() ({
        %run_scoped3A_27 = tpu.sem_alloc : memref<!tpu.dma_semaphore, #tpu.memory_space<semaphore_mem>>
        %dma_start3A = tpu.memref_slice %arg2[%run_scoped3A_15, %add3A_14] : memref<4x8388608xf32, #tpu.memory_space<hbm>> -> memref<1x16384xf32, #tpu.memory_space<hbm>>
        %dma_start3A_28 = tpu.memref_squeeze %dma_start3A : memref<1x16384xf32, #tpu.memory_space<hbm>> -> memref<16384xf32, #tpu.memory_space<hbm>>
        %dma_start3A_29 = tpu.memref_slice %arg2[%run_scoped3A_15, %add3A_14] : memref<4x8388608xf32, #tpu.memory_space<hbm>> -> memref<1x16384xf32, #tpu.memory_space<hbm>>
        %dma_start3A_30 = tpu.memref_squeeze %dma_start3A_29 : memref<1x16384xf32, #tpu.memory_space<hbm>> -> memref<16384xf32, #tpu.memory_space<hbm>>
        tpu.enqueue_dma source(%dma_start3A_30 : memref<16384xf32, #tpu.memory_space<hbm>>) target(%arg7 : memref<16384xf32, #tpu.memory_space<vmem>>) target_semaphore(%run_scoped3A_27 : memref<!tpu.dma_semaphore, #tpu.memory_space<semaphore_mem>>)
        %dma_wait3A = tpu.memref_slice %arg2[%run_scoped3A_15, %add3A_14] : memref<4x8388608xf32, #tpu.memory_space<hbm>> -> memref<1x16384xf32, #tpu.memory_space<hbm>>
        %dma_wait3A_31 = tpu.memref_squeeze %dma_wait3A : memref<1x16384xf32, #tpu.memory_space<hbm>> -> memref<16384xf32, #tpu.memory_space<hbm>>
        %dma_wait3A_32 = tpu.memref_slice %arg2[%run_scoped3A_15, %add3A_14] : memref<4x8388608xf32, #tpu.memory_space<hbm>> -> memref<1x16384xf32, #tpu.memory_space<hbm>>
        %dma_wait3A_33 = tpu.memref_squeeze %dma_wait3A_32 : memref<1x16384xf32, #tpu.memory_space<hbm>> -> memref<16384xf32, #tpu.memory_space<hbm>>
        tpu.wait_dma2 semaphore(%run_scoped3A_27 : memref<!tpu.dma_semaphore, #tpu.memory_space<semaphore_mem>>) src(%dma_wait3A_33 : memref<16384xf32, #tpu.memory_space<hbm>>) dst(%arg7 : memref<16384xf32, #tpu.memory_space<vmem>>)
        tpu.yield
      }) : () -> ()
      %run_scoped3A_16 = arith.constant 2 : i32
      "tpu.region"() ({
        %run_scoped3A_27 = tpu.sem_alloc : memref<!tpu.dma_semaphore, #tpu.memory_space<semaphore_mem>>
        %dma_start3A = tpu.memref_slice %arg2[%run_scoped3A_16, %add3A_14] : memref<4x8388608xf32, #tpu.memory_space<hbm>> -> memref<1x16384xf32, #tpu.memory_space<hbm>>
        %dma_start3A_28 = tpu.memref_squeeze %dma_start3A : memref<1x16384xf32, #tpu.memory_space<hbm>> -> memref<16384xf32, #tpu.memory_space<hbm>>
        %dma_start3A_29 = tpu.memref_slice %arg2[%run_scoped3A_16, %add3A_14] : memref<4x8388608xf32, #tpu.memory_space<hbm>> -> memref<1x16384xf32, #tpu.memory_space<hbm>>
        %dma_start3A_30 = tpu.memref_squeeze %dma_start3A_29 : memref<1x16384xf32, #tpu.memory_space<hbm>> -> memref<16384xf32, #tpu.memory_space<hbm>>
        tpu.enqueue_dma source(%dma_start3A_30 : memref<16384xf32, #tpu.memory_space<hbm>>) target(%arg8 : memref<16384xf32, #tpu.memory_space<vmem>>) target_semaphore(%run_scoped3A_27 : memref<!tpu.dma_semaphore, #tpu.memory_space<semaphore_mem>>)
        %dma_wait3A = tpu.memref_slice %arg2[%run_scoped3A_16, %add3A_14] : memref<4x8388608xf32, #tpu.memory_space<hbm>> -> memref<1x16384xf32, #tpu.memory_space<hbm>>
        %dma_wait3A_31 = tpu.memref_squeeze %dma_wait3A : memref<1x16384xf32, #tpu.memory_space<hbm>> -> memref<16384xf32, #tpu.memory_space<hbm>>
        %dma_wait3A_32 = tpu.memref_slice %arg2[%run_scoped3A_16, %add3A_14] : memref<4x8388608xf32, #tpu.memory_space<hbm>> -> memref<1x16384xf32, #tpu.memory_space<hbm>>
        %dma_wait3A_33 = tpu.memref_squeeze %dma_wait3A_32 : memref<1x16384xf32, #tpu.memory_space<hbm>> -> memref<16384xf32, #tpu.memory_space<hbm>>
        tpu.wait_dma2 semaphore(%run_scoped3A_27 : memref<!tpu.dma_semaphore, #tpu.memory_space<semaphore_mem>>) src(%dma_wait3A_33 : memref<16384xf32, #tpu.memory_space<hbm>>) dst(%arg8 : memref<16384xf32, #tpu.memory_space<vmem>>)
        tpu.yield
      }) : () -> ()
      %run_scoped3A_17 = arith.constant 3 : i32
      "tpu.region"() ({
        %run_scoped3A_27 = tpu.sem_alloc : memref<!tpu.dma_semaphore, #tpu.memory_space<semaphore_mem>>
        %dma_start3A = tpu.memref_slice %arg2[%run_scoped3A_17, %add3A_14] : memref<4x8388608xf32, #tpu.memory_space<hbm>> -> memref<1x16384xf32, #tpu.memory_space<hbm>>
        %dma_start3A_28 = tpu.memref_squeeze %dma_start3A : memref<1x16384xf32, #tpu.memory_space<hbm>> -> memref<16384xf32, #tpu.memory_space<hbm>>
        %dma_start3A_29 = tpu.memref_slice %arg2[%run_scoped3A_17, %add3A_14] : memref<4x8388608xf32, #tpu.memory_space<hbm>> -> memref<1x16384xf32, #tpu.memory_space<hbm>>
        %dma_start3A_30 = tpu.memref_squeeze %dma_start3A_29 : memref<1x16384xf32, #tpu.memory_space<hbm>> -> memref<16384xf32, #tpu.memory_space<hbm>>
        tpu.enqueue_dma source(%dma_start3A_30 : memref<16384xf32, #tpu.memory_space<hbm>>) target(%arg9 : memref<16384xf32, #tpu.memory_space<vmem>>) target_semaphore(%run_scoped3A_27 : memref<!tpu.dma_semaphore, #tpu.memory_space<semaphore_mem>>)
        %dma_wait3A = tpu.memref_slice %arg2[%run_scoped3A_17, %add3A_14] : memref<4x8388608xf32, #tpu.memory_space<hbm>> -> memref<1x16384xf32, #tpu.memory_space<hbm>>
        %dma_wait3A_31 = tpu.memref_squeeze %dma_wait3A : memref<1x16384xf32, #tpu.memory_space<hbm>> -> memref<16384xf32, #tpu.memory_space<hbm>>
        %dma_wait3A_32 = tpu.memref_slice %arg2[%run_scoped3A_17, %add3A_14] : memref<4x8388608xf32, #tpu.memory_space<hbm>> -> memref<1x16384xf32, #tpu.memory_space<hbm>>
        %dma_wait3A_33 = tpu.memref_squeeze %dma_wait3A_32 : memref<1x16384xf32, #tpu.memory_space<hbm>> -> memref<16384xf32, #tpu.memory_space<hbm>>
        tpu.wait_dma2 semaphore(%run_scoped3A_27 : memref<!tpu.dma_semaphore, #tpu.memory_space<semaphore_mem>>) src(%dma_wait3A_33 : memref<16384xf32, #tpu.memory_space<hbm>>) dst(%arg9 : memref<16384xf32, #tpu.memory_space<vmem>>)
        tpu.yield
      }) : () -> ()
      %scan3A_18 = arith.constant 0 : i32
      %scan3A_19 = arith.constant 1024 : i32
      %scan3A_20 = arith.addi %scan3A_18, %scan3A_19 : i32
      %scan3A_21 = arith.constant 4 : i32
      scf.for %scan3A_27 = %scan3A_18 to %scan3A_20 step %scan3A_21  : i32 {
        %mul3A_28 = arith.constant 16 : i32
        %mul3A_29 = arith.muli %scan3A_27, %mul3A_28 : i32
        %add3A_30 = arith.constant 0 : i32
        %add3A_31 = arith.addi %add3A_30, %mul3A_29 : i32
        %get3A = arith.index_cast %add3A_31 : i32 to index
        %get3A_32 = tpu.vector_load %arg5[%get3A] {strides = array<i32>} : memref<16384xf32, #tpu.memory_space<vmem>>, vector<16xf32>,
        %get3A_33 = vector.shape_cast %get3A_32 : vector<16xf32> to vector<16xf32>
        %get3A_34 = arith.index_cast %add3A_31 : i32 to index
        %get3A_35 = tpu.vector_load %arg6[%get3A_34] {strides = array<i32>} : memref<16384xf32, #tpu.memory_space<vmem>>, vector<16xf32>,
        %get3A_36 = vector.shape_cast %get3A_35 : vector<16xf32> to vector<16xf32>
        %add3A_37 = arith.addf %get3A_36, %get3A_33 : vector<16xf32>
        %swap3A = arith.index_cast %add3A_31 : i32 to index
        %swap3A_38 = tpu.vector_load %arg6[%swap3A] {strides = array<i32>} : memref<16384xf32, #tpu.memory_space<vmem>>, vector<16xf32>,
        %swap3A_39 = vector.shape_cast %swap3A_38 : vector<16xf32> to vector<16xf32>
        %swap3A_40 = vector.shape_cast %add3A_37 : vector<16xf32> to vector<16xf32>
        tpu.vector_store %arg6[%swap3A], %swap3A_40 {strides = array<i32>} : memref<16384xf32, #tpu.memory_space<vmem>>, vector<16xf32>,
        %get3A_41 = arith.index_cast %add3A_31 : i32 to index
        %get3A_42 = tpu.vector_load %arg7[%get3A_41] {strides = array<i32>} : memref<16384xf32, #tpu.memory_space<vmem>>, vector<16xf32>,
        %get3A_43 = vector.shape_cast %get3A_42 : vector<16xf32> to vector<16xf32>
        %add3A_44 = arith.addf %get3A_43, %get3A_33 : vector<16xf32>
        %swap3A_45 = arith.index_cast %add3A_31 : i32 to index
        %swap3A_46 = tpu.vector_load %arg7[%swap3A_45] {strides = array<i32>} : memref<16384xf32, #tpu.memory_space<vmem>>, vector<16xf32>,
        %swap3A_47 = vector.shape_cast %swap3A_46 : vector<16xf32> to vector<16xf32>
        %swap3A_48 = vector.shape_cast %add3A_44 : vector<16xf32> to vector<16xf32>
        tpu.vector_store %arg7[%swap3A_45], %swap3A_48 {strides = array<i32>} : memref<16384xf32, #tpu.memory_space<vmem>>, vector<16xf32>,
        %get3A_49 = arith.index_cast %add3A_31 : i32 to index
        %get3A_50 = tpu.vector_load %arg8[%get3A_49] {strides = array<i32>} : memref<16384xf32, #tpu.memory_space<vmem>>, vector<16xf32>,
        %get3A_51 = vector.shape_cast %get3A_50 : vector<16xf32> to vector<16xf32>
        %add3A_52 = arith.addf %get3A_51, %get3A_33 : vector<16xf32>
        %swap3A_53 = arith.index_cast %add3A_31 : i32 to index
        %swap3A_54 = tpu.vector_load %arg8[%swap3A_53] {strides = array<i32>} : memref<16384xf32, #tpu.memory_space<vmem>>, vector<16xf32>,
        %swap3A_55 = vector.shape_cast %swap3A_54 : vector<16xf32> to vector<16xf32>
        %swap3A_56 = vector.shape_cast %add3A_52 : vector<16xf32> to vector<16xf32>
        tpu.vector_store %arg8[%swap3A_53], %swap3A_56 {strides = array<i32>} : memref<16384xf32, #tpu.memory_space<vmem>>, vector<16xf32>,
        %get3A_57 = arith.index_cast %add3A_31 : i32 to index
        %get3A_58 = tpu.vector_load %arg9[%get3A_57] {strides = array<i32>} : memref<16384xf32, #tpu.memory_space<vmem>>, vector<16xf32>,
        %get3A_59 = vector.shape_cast %get3A_58 : vector<16xf32> to vector<16xf32>
        %add3A_60 = arith.addf %get3A_59, %get3A_33 : vector<16xf32>
        %swap3A_61 = arith.index_cast %add3A_31 : i32 to index
        %swap3A_62 = tpu.vector_load %arg9[%swap3A_61] {strides = array<i32>} : memref<16384xf32, #tpu.memory_space<vmem>>, vector<16xf32>,
        %swap3A_63 = vector.shape_cast %swap3A_62 : vector<16xf32> to vector<16xf32>
        %swap3A_64 = vector.shape_cast %add3A_60 : vector<16xf32> to vector<16xf32>
        tpu.vector_store %arg9[%swap3A_61], %swap3A_64 {strides = array<i32>} : memref<16384xf32, #tpu.memory_space<vmem>>, vector<16xf32>,
        %scan3A_65 = arith.constant 1 : i32
        %scan3A_66 = arith.addi %scan3A_27, %scan3A_65 : i32
        %mul3A_67 = arith.constant 16 : i32
        %mul3A_68 = arith.muli %scan3A_66, %mul3A_67 : i32
        %add3A_69 = arith.constant 0 : i32
        %add3A_70 = arith.addi %add3A_69, %mul3A_68 : i32
        %get3A_71 = arith.index_cast %add3A_70 : i32 to index
        %get3A_72 = tpu.vector_load %arg5[%get3A_71] {strides = array<i32>} : memref<16384xf32, #tpu.memory_space<vmem>>, vector<16xf32>,
        %get3A_73 = vector.shape_cast %get3A_72 : vector<16xf32> to vector<16xf32>
        %get3A_74 = arith.index_cast %add3A_70 : i32 to index
        %get3A_75 = tpu.vector_load %arg6[%get3A_74] {strides = array<i32>} : memref<16384xf32, #tpu.memory_space<vmem>>, vector<16xf32>,
        %get3A_76 = vector.shape_cast %get3A_75 : vector<16xf32> to vector<16xf32>
        %add3A_77 = arith.addf %get3A_76, %get3A_73 : vector<16xf32>
        %swap3A_78 = arith.index_cast %add3A_70 : i32 to index
        %swap3A_79 = tpu.vector_load %arg6[%swap3A_78] {strides = array<i32>} : memref<16384xf32, #tpu.memory_space<vmem>>, vector<16xf32>,
        %swap3A_80 = vector.shape_cast %swap3A_79 : vector<16xf32> to vector<16xf32>
        %swap3A_81 = vector.shape_cast %add3A_77 : vector<16xf32> to vector<16xf32>
        tpu.vector_store %arg6[%swap3A_78], %swap3A_81 {strides = array<i32>} : memref<16384xf32, #tpu.memory_space<vmem>>, vector<16xf32>,
        %get3A_82 = arith.index_cast %add3A_70 : i32 to index
        %get3A_83 = tpu.vector_load %arg7[%get3A_82] {strides = array<i32>} : memref<16384xf32, #tpu.memory_space<vmem>>, vector<16xf32>,
        %get3A_84 = vector.shape_cast %get3A_83 : vector<16xf32> to vector<16xf32>
        %add3A_85 = arith.addf %get3A_84, %get3A_73 : vector<16xf32>
        %swap3A_86 = arith.index_cast %add3A_70 : i32 to index
        %swap3A_87 = tpu.vector_load %arg7[%swap3A_86] {strides = array<i32>} : memref<16384xf32, #tpu.memory_space<vmem>>, vector<16xf32>,
        %swap3A_88 = vector.shape_cast %swap3A_87 : vector<16xf32> to vector<16xf32>
        %swap3A_89 = vector.shape_cast %add3A_85 : vector<16xf32> to vector<16xf32>
        tpu.vector_store %arg7[%swap3A_86], %swap3A_89 {strides = array<i32>} : memref<16384xf32, #tpu.memory_space<vmem>>, vector<16xf32>,
        %get3A_90 = arith.index_cast %add3A_70 : i32 to index
        %get3A_91 = tpu.vector_load %arg8[%get3A_90] {strides = array<i32>} : memref<16384xf32, #tpu.memory_space<vmem>>, vector<16xf32>,
        %get3A_92 = vector.shape_cast %get3A_91 : vector<16xf32> to vector<16xf32>
        %add3A_93 = arith.addf %get3A_92, %get3A_73 : vector<16xf32>
        %swap3A_94 = arith.index_cast %add3A_70 : i32 to index
        %swap3A_95 = tpu.vector_load %arg8[%swap3A_94] {strides = array<i32>} : memref<16384xf32, #tpu.memory_space<vmem>>, vector<16xf32>,
        %swap3A_96 = vector.shape_cast %swap3A_95 : vector<16xf32> to vector<16xf32>
        %swap3A_97 = vector.shape_cast %add3A_93 : vector<16xf32> to vector<16xf32>
        tpu.vector_store %arg8[%swap3A_94], %swap3A_97 {strides = array<i32>} : memref<16384xf32, #tpu.memory_space<vmem>>, vector<16xf32>,
        %get3A_98 = arith.index_cast %add3A_70 : i32 to index
        %get3A_99 = tpu.vector_load %arg9[%get3A_98] {strides = array<i32>} : memref<16384xf32, #tpu.memory_space<vmem>>, vector<16xf32>,
        %get3A_100 = vector.shape_cast %get3A_99 : vector<16xf32> to vector<16xf32>
        %add3A_101 = arith.addf %get3A_100, %get3A_73 : vector<16xf32>
        %swap3A_102 = arith.index_cast %add3A_70 : i32 to index
        %swap3A_103 = tpu.vector_load %arg9[%swap3A_102] {strides = array<i32>} : memref<16384xf32, #tpu.memory_space<vmem>>, vector<16xf32>,
        %swap3A_104 = vector.shape_cast %swap3A_103 : vector<16xf32> to vector<16xf32>
        %swap3A_105 = vector.shape_cast %add3A_101 : vector<16xf32> to vector<16xf32>
        tpu.vector_store %arg9[%swap3A_102], %swap3A_105 {strides = array<i32>} : memref<16384xf32, #tpu.memory_space<vmem>>, vector<16xf32>,
        %scan3A_106 = arith.constant 2 : i32
        %scan3A_107 = arith.addi %scan3A_27, %scan3A_106 : i32
        %mul3A_108 = arith.constant 16 : i32
        %mul3A_109 = arith.muli %scan3A_107, %mul3A_108 : i32
        %add3A_110 = arith.constant 0 : i32
        %add3A_111 = arith.addi %add3A_110, %mul3A_109 : i32
        %get3A_112 = arith.index_cast %add3A_111 : i32 to index
        %get3A_113 = tpu.vector_load %arg5[%get3A_112] {strides = array<i32>} : memref<16384xf32, #tpu.memory_space<vmem>>, vector<16xf32>,
        %get3A_114 = vector.shape_cast %get3A_113 : vector<16xf32> to vector<16xf32>
        %get3A_115 = arith.index_cast %add3A_111 : i32 to index
        %get3A_116 = tpu.vector_load %arg6[%get3A_115] {strides = array<i32>} : memref<16384xf32, #tpu.memory_space<vmem>>, vector<16xf32>,
        %get3A_117 = vector.shape_cast %get3A_116 : vector<16xf32> to vector<16xf32>
        %add3A_118 = arith.addf %get3A_117, %get3A_114 : vector<16xf32>
        %swap3A_119 = arith.index_cast %add3A_111 : i32 to index
        %swap3A_120 = tpu.vector_load %arg6[%swap3A_119] {strides = array<i32>} : memref<16384xf32, #tpu.memory_space<vmem>>, vector<16xf32>,
        %swap3A_121 = vector.shape_cast %swap3A_120 : vector<16xf32> to vector<16xf32>
        %swap3A_122 = vector.shape_cast %add3A_118 : vector<16xf32> to vector<16xf32>
        tpu.vector_store %arg6[%swap3A_119], %swap3A_122 {strides = array<i32>} : memref<16384xf32, #tpu.memory_space<vmem>>, vector<16xf32>,
        %get3A_123 = arith.index_cast %add3A_111 : i32 to index
        %get3A_124 = tpu.vector_load %arg7[%get3A_123] {strides = array<i32>} : memref<16384xf32, #tpu.memory_space<vmem>>, vector<16xf32>,
        %get3A_125 = vector.shape_cast %get3A_124 : vector<16xf32> to vector<16xf32>
        %add3A_126 = arith.addf %get3A_125, %get3A_114 : vector<16xf32>
        %swap3A_127 = arith.index_cast %add3A_111 : i32 to index
        %swap3A_128 = tpu.vector_load %arg7[%swap3A_127] {strides = array<i32>} : memref<16384xf32, #tpu.memory_space<vmem>>, vector<16xf32>,
        %swap3A_129 = vector.shape_cast %swap3A_128 : vector<16xf32> to vector<16xf32>
        %swap3A_130 = vector.shape_cast %add3A_126 : vector<16xf32> to vector<16xf32>
        tpu.vector_store %arg7[%swap3A_127], %swap3A_130 {strides = array<i32>} : memref<16384xf32, #tpu.memory_space<vmem>>, vector<16xf32>,
        %get3A_131 = arith.index_cast %add3A_111 : i32 to index
        %get3A_132 = tpu.vector_load %arg8[%get3A_131] {strides = array<i32>} : memref<16384xf32, #tpu.memory_space<vmem>>, vector<16xf32>,
        %get3A_133 = vector.shape_cast %get3A_132 : vector<16xf32> to vector<16xf32>
        %add3A_134 = arith.addf %get3A_133, %get3A_114 : vector<16xf32>
        %swap3A_135 = arith.index_cast %add3A_111 : i32 to index
        %swap3A_136 = tpu.vector_load %arg8[%swap3A_135] {strides = array<i32>} : memref<16384xf32, #tpu.memory_space<vmem>>, vector<16xf32>,
        %swap3A_137 = vector.shape_cast %swap3A_136 : vector<16xf32> to vector<16xf32>
        %swap3A_138 = vector.shape_cast %add3A_134 : vector<16xf32> to vector<16xf32>
        tpu.vector_store %arg8[%swap3A_135], %swap3A_138 {strides = array<i32>} : memref<16384xf32, #tpu.memory_space<vmem>>, vector<16xf32>,
        %get3A_139 = arith.index_cast %add3A_111 : i32 to index
        %get3A_140 = tpu.vector_load %arg9[%get3A_139] {strides = array<i32>} : memref<16384xf32, #tpu.memory_space<vmem>>, vector<16xf32>,
        %get3A_141 = vector.shape_cast %get3A_140 : vector<16xf32> to vector<16xf32>
        %add3A_142 = arith.addf %get3A_141, %get3A_114 : vector<16xf32>
        %swap3A_143 = arith.index_cast %add3A_111 : i32 to index
        %swap3A_144 = tpu.vector_load %arg9[%swap3A_143] {strides = array<i32>} : memref<16384xf32, #tpu.memory_space<vmem>>, vector<16xf32>,
        %swap3A_145 = vector.shape_cast %swap3A_144 : vector<16xf32> to vector<16xf32>
        %swap3A_146 = vector.shape_cast %add3A_142 : vector<16xf32> to vector<16xf32>
        tpu.vector_store %arg9[%swap3A_143], %swap3A_146 {strides = array<i32>} : memref<16384xf32, #tpu.memory_space<vmem>>, vector<16xf32>,
        %scan3A_147 = arith.constant 3 : i32
        %scan3A_148 = arith.addi %scan3A_27, %scan3A_147 : i32
        %mul3A_149 = arith.constant 16 : i32
        %mul3A_150 = arith.muli %scan3A_148, %mul3A_149 : i32
        %add3A_151 = arith.constant 0 : i32
        %add3A_152 = arith.addi %add3A_151, %mul3A_150 : i32
        %get3A_153 = arith.index_cast %add3A_152 : i32 to index
        %get3A_154 = tpu.vector_load %arg5[%get3A_153] {strides = array<i32>} : memref<16384xf32, #tpu.memory_space<vmem>>, vector<16xf32>,
        %get3A_155 = vector.shape_cast %get3A_154 : vector<16xf32> to vector<16xf32>
        %get3A_156 = arith.index_cast %add3A_152 : i32 to index
        %get3A_157 = tpu.vector_load %arg6[%get3A_156] {strides = array<i32>} : memref<16384xf32, #tpu.memory_space<vmem>>, vector<16xf32>,
        %get3A_158 = vector.shape_cast %get3A_157 : vector<16xf32> to vector<16xf32>
        %add3A_159 = arith.addf %get3A_158, %get3A_155 : vector<16xf32>
        %swap3A_160 = arith.index_cast %add3A_152 : i32 to index
        %swap3A_161 = tpu.vector_load %arg6[%swap3A_160] {strides = array<i32>} : memref<16384xf32, #tpu.memory_space<vmem>>, vector<16xf32>,
        %swap3A_162 = vector.shape_cast %swap3A_161 : vector<16xf32> to vector<16xf32>
        %swap3A_163 = vector.shape_cast %add3A_159 : vector<16xf32> to vector<16xf32>
        tpu.vector_store %arg6[%swap3A_160], %swap3A_163 {strides = array<i32>} : memref<16384xf32, #tpu.memory_space<vmem>>, vector<16xf32>,
        %get3A_164 = arith.index_cast %add3A_152 : i32 to index
        %get3A_165 = tpu.vector_load %arg7[%get3A_164] {strides = array<i32>} : memref<16384xf32, #tpu.memory_space<vmem>>, vector<16xf32>,
        %get3A_166 = vector.shape_cast %get3A_165 : vector<16xf32> to vector<16xf32>
        %add3A_167 = arith.addf %get3A_166, %get3A_155 : vector<16xf32>
        %swap3A_168 = arith.index_cast %add3A_152 : i32 to index
        %swap3A_169 = tpu.vector_load %arg7[%swap3A_168] {strides = array<i32>} : memref<16384xf32, #tpu.memory_space<vmem>>, vector<16xf32>,
        %swap3A_170 = vector.shape_cast %swap3A_169 : vector<16xf32> to vector<16xf32>
        %swap3A_171 = vector.shape_cast %add3A_167 : vector<16xf32> to vector<16xf32>
        tpu.vector_store %arg7[%swap3A_168], %swap3A_171 {strides = array<i32>} : memref<16384xf32, #tpu.memory_space<vmem>>, vector<16xf32>,
        %get3A_172 = arith.index_cast %add3A_152 : i32 to index
        %get3A_173 = tpu.vector_load %arg8[%get3A_172] {strides = array<i32>} : memref<16384xf32, #tpu.memory_space<vmem>>, vector<16xf32>,
        %get3A_174 = vector.shape_cast %get3A_173 : vector<16xf32> to vector<16xf32>
        %add3A_175 = arith.addf %get3A_174, %get3A_155 : vector<16xf32>
        %swap3A_176 = arith.index_cast %add3A_152 : i32 to index
        %swap3A_177 = tpu.vector_load %arg8[%swap3A_176] {strides = array<i32>} : memref<16384xf32, #tpu.memory_space<vmem>>, vector<16xf32>,
        %swap3A_178 = vector.shape_cast %swap3A_177 : vector<16xf32> to vector<16xf32>
        %swap3A_179 = vector.shape_cast %add3A_175 : vector<16xf32> to vector<16xf32>
        tpu.vector_store %arg8[%swap3A_176], %swap3A_179 {strides = array<i32>} : memref<16384xf32, #tpu.memory_space<vmem>>, vector<16xf32>,
        %get3A_180 = arith.index_cast %add3A_152 : i32 to index
        %get3A_181 = tpu.vector_load %arg9[%get3A_180] {strides = array<i32>} : memref<16384xf32, #tpu.memory_space<vmem>>, vector<16xf32>,
        %get3A_182 = vector.shape_cast %get3A_181 : vector<16xf32> to vector<16xf32>
        %add3A_183 = arith.addf %get3A_182, %get3A_155 : vector<16xf32>
        %swap3A_184 = arith.index_cast %add3A_152 : i32 to index
        %swap3A_185 = tpu.vector_load %arg9[%swap3A_184] {strides = array<i32>} : memref<16384xf32, #tpu.memory_space<vmem>>, vector<16xf32>,
        %swap3A_186 = vector.shape_cast %swap3A_185 : vector<16xf32> to vector<16xf32>
        %swap3A_187 = vector.shape_cast %add3A_183 : vector<16xf32> to vector<16xf32>
        tpu.vector_store %arg9[%swap3A_184], %swap3A_187 {strides = array<i32>} : memref<16384xf32, #tpu.memory_space<vmem>>, vector<16xf32>,
      }
      %scan3A_22 = arith.constant 1024 : i32
      %run_scoped3A_23 = arith.constant 0 : i32
      "tpu.region"() ({
        %run_scoped3A_27 = tpu.sem_alloc : memref<!tpu.dma_semaphore, #tpu.memory_space<semaphore_mem>>
        %dma_start3A = tpu.memref_slice %arg4[%run_scoped3A_23, %add3A_14] : memref<4x8388608xf32, #tpu.memory_space<hbm>> -> memref<1x16384xf32, #tpu.memory_space<hbm>>
        %dma_start3A_28 = tpu.memref_squeeze %dma_start3A : memref<1x16384xf32, #tpu.memory_space<hbm>> -> memref<16384xf32, #tpu.memory_space<hbm>>
        %dma_start3A_29 = tpu.memref_slice %arg4[%run_scoped3A_23, %add3A_14] : memref<4x8388608xf32, #tpu.memory_space<hbm>> -> memref<1x16384xf32, #tpu.memory_space<hbm>>
        %dma_start3A_30 = tpu.memref_squeeze %dma_start3A_29 : memref<1x16384xf32, #tpu.memory_space<hbm>> -> memref<16384xf32, #tpu.memory_space<hbm>>
        tpu.enqueue_dma source(%arg6 : memref<16384xf32, #tpu.memory_space<vmem>>) target(%dma_start3A_30 : memref<16384xf32, #tpu.memory_space<hbm>>) target_semaphore(%run_scoped3A_27 : memref<!tpu.dma_semaphore, #tpu.memory_space<semaphore_mem>>)
        %dma_wait3A = tpu.memref_slice %arg4[%run_scoped3A_23, %add3A_14] : memref<4x8388608xf32, #tpu.memory_space<hbm>> -> memref<1x16384xf32, #tpu.memory_space<hbm>>
        %dma_wait3A_31 = tpu.memref_squeeze %dma_wait3A : memref<1x16384xf32, #tpu.memory_space<hbm>> -> memref<16384xf32, #tpu.memory_space<hbm>>
        %dma_wait3A_32 = tpu.memref_slice %arg4[%run_scoped3A_23, %add3A_14] : memref<4x8388608xf32, #tpu.memory_space<hbm>> -> memref<1x16384xf32, #tpu.memory_space<hbm>>
        %dma_wait3A_33 = tpu.memref_squeeze %dma_wait3A_32 : memref<1x16384xf32, #tpu.memory_space<hbm>> -> memref<16384xf32, #tpu.memory_space<hbm>>
        tpu.wait_dma2 semaphore(%run_scoped3A_27 : memref<!tpu.dma_semaphore, #tpu.memory_space<semaphore_mem>>) src(%arg6 : memref<16384xf32, #tpu.memory_space<vmem>>) dst(%dma_wait3A_33 : memref<16384xf32, #tpu.memory_space<hbm>>)
        tpu.yield
      }) : () -> ()
      %run_scoped3A_24 = arith.constant 1 : i32
      "tpu.region"() ({
        %run_scoped3A_27 = tpu.sem_alloc : memref<!tpu.dma_semaphore, #tpu.memory_space<semaphore_mem>>
        %dma_start3A = tpu.memref_slice %arg4[%run_scoped3A_24, %add3A_14] : memref<4x8388608xf32, #tpu.memory_space<hbm>> -> memref<1x16384xf32, #tpu.memory_space<hbm>>
        %dma_start3A_28 = tpu.memref_squeeze %dma_start3A : memref<1x16384xf32, #tpu.memory_space<hbm>> -> memref<16384xf32, #tpu.memory_space<hbm>>
        %dma_start3A_29 = tpu.memref_slice %arg4[%run_scoped3A_24, %add3A_14] : memref<4x8388608xf32, #tpu.memory_space<hbm>> -> memref<1x16384xf32, #tpu.memory_space<hbm>>
        %dma_start3A_30 = tpu.memref_squeeze %dma_start3A_29 : memref<1x16384xf32, #tpu.memory_space<hbm>> -> memref<16384xf32, #tpu.memory_space<hbm>>
        tpu.enqueue_dma source(%arg7 : memref<16384xf32, #tpu.memory_space<vmem>>) target(%dma_start3A_30 : memref<16384xf32, #tpu.memory_space<hbm>>) target_semaphore(%run_scoped3A_27 : memref<!tpu.dma_semaphore, #tpu.memory_space<semaphore_mem>>)
        %dma_wait3A = tpu.memref_slice %arg4[%run_scoped3A_24, %add3A_14] : memref<4x8388608xf32, #tpu.memory_space<hbm>> -> memref<1x16384xf32, #tpu.memory_space<hbm>>
        %dma_wait3A_31 = tpu.memref_squeeze %dma_wait3A : memref<1x16384xf32, #tpu.memory_space<hbm>> -> memref<16384xf32, #tpu.memory_space<hbm>>
        %dma_wait3A_32 = tpu.memref_slice %arg4[%run_scoped3A_24, %add3A_14] : memref<4x8388608xf32, #tpu.memory_space<hbm>> -> memref<1x16384xf32, #tpu.memory_space<hbm>>
        %dma_wait3A_33 = tpu.memref_squeeze %dma_wait3A_32 : memref<1x16384xf32, #tpu.memory_space<hbm>> -> memref<16384xf32, #tpu.memory_space<hbm>>
        tpu.wait_dma2 semaphore(%run_scoped3A_27 : memref<!tpu.dma_semaphore, #tpu.memory_space<semaphore_mem>>) src(%arg7 : memref<16384xf32, #tpu.memory_space<vmem>>) dst(%dma_wait3A_33 : memref<16384xf32, #tpu.memory_space<hbm>>)
        tpu.yield
      }) : () -> ()
      %run_scoped3A_25 = arith.constant 2 : i32
      "tpu.region"() ({
        %run_scoped3A_27 = tpu.sem_alloc : memref<!tpu.dma_semaphore, #tpu.memory_space<semaphore_mem>>
        %dma_start3A = tpu.memref_slice %arg4[%run_scoped3A_25, %add3A_14] : memref<4x8388608xf32, #tpu.memory_space<hbm>> -> memref<1x16384xf32, #tpu.memory_space<hbm>>
        %dma_start3A_28 = tpu.memref_squeeze %dma_start3A : memref<1x16384xf32, #tpu.memory_space<hbm>> -> memref<16384xf32, #tpu.memory_space<hbm>>
        %dma_start3A_29 = tpu.memref_slice %arg4[%run_scoped3A_25, %add3A_14] : memref<4x8388608xf32, #tpu.memory_space<hbm>> -> memref<1x16384xf32, #tpu.memory_space<hbm>>
        %dma_start3A_30 = tpu.memref_squeeze %dma_start3A_29 : memref<1x16384xf32, #tpu.memory_space<hbm>> -> memref<16384xf32, #tpu.memory_space<hbm>>
        tpu.enqueue_dma source(%arg8 : memref<16384xf32, #tpu.memory_space<vmem>>) target(%dma_start3A_30 : memref<16384xf32, #tpu.memory_space<hbm>>) target_semaphore(%run_scoped3A_27 : memref<!tpu.dma_semaphore, #tpu.memory_space<semaphore_mem>>)
        %dma_wait3A = tpu.memref_slice %arg4[%run_scoped3A_25, %add3A_14] : memref<4x8388608xf32, #tpu.memory_space<hbm>> -> memref<1x16384xf32, #tpu.memory_space<hbm>>
        %dma_wait3A_31 = tpu.memref_squeeze %dma_wait3A : memref<1x16384xf32, #tpu.memory_space<hbm>> -> memref<16384xf32, #tpu.memory_space<hbm>>
        %dma_wait3A_32 = tpu.memref_slice %arg4[%run_scoped3A_25, %add3A_14] : memref<4x8388608xf32, #tpu.memory_space<hbm>> -> memref<1x16384xf32, #tpu.memory_space<hbm>>
        %dma_wait3A_33 = tpu.memref_squeeze %dma_wait3A_32 : memref<1x16384xf32, #tpu.memory_space<hbm>> -> memref<16384xf32, #tpu.memory_space<hbm>>
        tpu.wait_dma2 semaphore(%run_scoped3A_27 : memref<!tpu.dma_semaphore, #tpu.memory_space<semaphore_mem>>) src(%arg8 : memref<16384xf32, #tpu.memory_space<vmem>>) dst(%dma_wait3A_33 : memref<16384xf32, #tpu.memory_space<hbm>>)
        tpu.yield
      }) : () -> ()
      %run_scoped3A_26 = arith.constant 3 : i32
      "tpu.region"() ({
        %run_scoped3A_27 = tpu.sem_alloc : memref<!tpu.dma_semaphore, #tpu.memory_space<semaphore_mem>>
        %dma_start3A = tpu.memref_slice %arg4[%run_scoped3A_26, %add3A_14] : memref<4x8388608xf32, #tpu.memory_space<hbm>> -> memref<1x16384xf32, #tpu.memory_space<hbm>>
        %dma_start3A_28 = tpu.memref_squeeze %dma_start3A : memref<1x16384xf32, #tpu.memory_space<hbm>> -> memref<16384xf32, #tpu.memory_space<hbm>>
        %dma_start3A_29 = tpu.memref_slice %arg4[%run_scoped3A_26, %add3A_14] : memref<4x8388608xf32, #tpu.memory_space<hbm>> -> memref<1x16384xf32, #tpu.memory_space<hbm>>
        %dma_start3A_30 = tpu.memref_squeeze %dma_start3A_29 : memref<1x16384xf32, #tpu.memory_space<hbm>> -> memref<16384xf32, #tpu.memory_space<hbm>>
        tpu.enqueue_dma source(%arg9 : memref<16384xf32, #tpu.memory_space<vmem>>) target(%dma_start3A_30 : memref<16384xf32, #tpu.memory_space<hbm>>) target_semaphore(%run_scoped3A_27 : memref<!tpu.dma_semaphore, #tpu.memory_space<semaphore_mem>>)
        %dma_wait3A = tpu.memref_slice %arg4[%run_scoped3A_26, %add3A_14] : memref<4x8388608xf32, #tpu.memory_space<hbm>> -> memref<1x16384xf32, #tpu.memory_space<hbm>>
        %dma_wait3A_31 = tpu.memref_squeeze %dma_wait3A : memref<1x16384xf32, #tpu.memory_space<hbm>> -> memref<16384xf32, #tpu.memory_space<hbm>>
        %dma_wait3A_32 = tpu.memref_slice %arg4[%run_scoped3A_26, %add3A_14] : memref<4x8388608xf32, #tpu.memory_space<hbm>> -> memref<1x16384xf32, #tpu.memory_space<hbm>>
        %dma_wait3A_33 = tpu.memref_squeeze %dma_wait3A_32 : memref<1x16384xf32, #tpu.memory_space<hbm>> -> memref<16384xf32, #tpu.memory_space<hbm>>
        tpu.wait_dma2 semaphore(%run_scoped3A_27 : memref<!tpu.dma_semaphore, #tpu.memory_space<semaphore_mem>>) src(%arg9 : memref<16384xf32, #tpu.memory_space<vmem>>) dst(%dma_wait3A_33 : memref<16384xf32, #tpu.memory_space<hbm>>)
        tpu.yield
      }) : () -> ()
    }
    %scan3A_6 = arith.constant 16 : i32
    return
  }
}

</mosaic_0001>

<sc_bundles>
// kernel: kernel.3.cloned.1.call-start
scs
__scs_entry_jumppad:
0x0: {  	(pc) =	sbr.rel $0x88, $3  }
0x1: {  	(tag) =	ssettag $0x0;
	lr =	simm.s32 $0x1  }
0x2: {  	[smem:$0x3F9F] =	sst lr;
	_ =	strace $0xD0000000  }
0x3: {  	_ = 	snop  }
0x4: {  	_ = 	snop  }
0x5: {  	_ = 	snop  }
0x6: {  	_ = 	snop  }
0x7: {  	_ = 	snop  }
__scs_overlays_trampoline_lowered:
0x8: {  	[smem:$0x3FAE] =	sst s0  }
0x9: {  	[smem:$0x3FAF] =	sst s1  }
0xa: {  	[smem:$0x3FB0] =	sst s2  }
0xb: {  	[smem:$0x3FB1] =	sst s3  }
0xc: {  	[smem:$0x3FB2] =	sst s4  }
0xd: {  	[smem:$0x3FB3] =	sst s5  }
0xe: {  	[smem:$0x3FB4] =	sst s6  }
0xf: {  	[smem:$0x3FB5] =	sst s7  }
0x10: {  	[smem:$0x3FB6] =	sst s8  }
0x11: {  	[smem:$0x3FB7] =	sst s9;
	s0 =	simm.s32 @!p0 $0x0  }
0x12: {  	s1 =	sld [smem:$0x3F9D];
	s0 =	simm.s32 @p0 $0x1  }
0x13: {  	[smem:$0x3FB8] =	sst s0;
	s0 =	simm.s32 @!p1 $0x0  }
0x14: {  	s2 =	sld [smem:$0x3F9C];
	s0 =	simm.s32 @p1 $0x1  }
0x15: {  	[smem:$0x3FB9] =	sst s0;
	s0 =	simm.s32 @!p2 $0x0  }
0x16: {  	s3 =	sld [smem:$0x3FDB];
	s0 =	simm.s32 @p2 $0x1  }
0x17: {  	s4 =	simm.s32 $0x1BF5;
	[smem:$0x3FBB] =	sst s0  }
0x18: {  	s0 =	sld [smem:$0x3F9E];
	_ =	swait.ge [sflag:s4], $0x0  }
0x19: {  	s7 =	sld [smem:$0x3F9F]  }
0x1a: {  	s8 =	sadd.s32 $0xFFFFE003, lr  }
0x1b: {  	s9 =	sadd.s32 $0xFFFFFEF7, lr;
	s5 =	simm.s32 $0xFFFFFFFF;
	p2 =	slt.u32 s8, $0xFFFFF086  }
0x1c: {  	p1 =	slt.u32 s9, $0xF7A;
	s5 =	simm.s32 @!p2 $0x0  }
0x1d: {  	s5 =	simm.s32 @p1 $0x1;
	p0 =	seq.s32 s7, s2  }
0x1e: {  	s7 =	smul.u32 @!p0 $0xF7A, s2;
	p2 =	seq.s32 @!p0 s5, $0x0  }
0x1f: {  	s9 =	smul.u32 $0xF7A, s1;
	s8 =	simm.s32 @!p0 $0x1BF5;
	p2 =	por !p2, p0  }
0x20: {  	[sflag:s8] =	ssyncset.s32 @!p0 $0xFFFFF086;
	s6 =	sadd.s32 @!p0 s3, s7;
	s7 =	simm.s32 @!p0 $0x108  }
0x21: {  	s3 =	sadd.s32 s3, s9;
	s6 =	sadd.s32 @!p0 $0x88, s6;
	s7 =	simm.s32 @p2 $0x1082  }
0x22: {  	[simem:s7], [sflag:s8] =	dma.local @!p0 [hbm:s6], $0xF7A  }
0x23: {  	s9 =	sor.u32 $0xD0000000, s2;
	s6 =	simm.s32 $0x108;
	_ =	swait.ge @!p0 [sflag:s8], $0x0  }
0x24: {  	s3 =	sadd.s32 $0x88, s3;
	s6 =	simm.s32 @!p1 $0x1082;
	[sflag:s4] =	ssyncset.s32 $0xFFFFF086  }
0x25: {  	[simem:s6], [sflag:s4] =	dma.local [hbm:s3], $0xF7A  }
0x26: {  	[smem:$0x3F9F] =	sst s1;
	(tag) =	ssettag s2;
	_ =	strace s9  }
0x27: {  	s1 =	sld [smem:$0x3FAF]  }
0x28: {  	s2 =	sld [smem:$0x3FB0]  }
0x29: {  	s4 =	sld [smem:$0x3FB2]  }
0x2a: {  	p0 =	seq.s32 s5, $0x0;
	s5 =	sld [smem:$0x3FB3]  }
0x2b: {  	s6 =	sld [smem:$0x3FB4]  }
0x2c: {  	s7 =	sld [smem:$0x3FB5]  }
0x2d: {  	s3 =	simm.s32 $0x108;
	s8 =	sld [smem:$0x3FB6]  }
0x2e: {  	s3 =	simm.s32 @!p0 $0x1082;
	s9 =	sld [smem:$0x3FB7]  }
0x2f: {  	lr =	sadd.s32 s0, s3;
	s0 =	sld [smem:$0x3FAE]  }
0x30: {  	s3 =	sld [smem:$0x3FB1]  }
0x31: {  	[smem:$0x3FBA] =	sst s10  }
0x32: {  	s10 =	sld [smem:$0x3FB8];
	_ =	sdelay $0x3  }
0x33: {  	p0 =	seq.s32 s10, $0x1;
	s10 =	sld [smem:$0x3FBA];
	_ =	sdelay $0x3  }
0x34: {  	[smem:$0x3FBA] =	sst s10  }
0x35: {  	s10 =	sld [smem:$0x3FB9];
	_ =	sdelay $0x3  }
0x36: {  	p1 =	seq.s32 s10, $0x1;
	s10 =	sld [smem:$0x3FBA];
	_ =	sdelay $0x3  }
0x37: {  	[smem:$0x3FBA] =	sst s10  }
0x38: {  	s10 =	sld [smem:$0x3FBB]  }
0x39: {  	_ = 	snop;
	(pc) =	sbr.ind lr, $3  }
0x3a: {  	_ = 	snop  }
0x3b: {  	_ = 	snop  }
0x3c: {  	p2 =	seq.s32 s10, $0x1;
	s10 =	sld [smem:$0x3FBA]  }
0x3d: {  	_ =	shalt  }
0x3e: {  	_ =	shalt  }
0x3f: {  	_ =	shalt  }
0x40: {  	_ =	shalt  }
0x41: {  	_ =	shalt  }
0x42: {  	_ =	shalt  }
0x43: {  	_ =	shalt  }
0x44: {  	_ =	shalt  }
0x45: {  	_ =	shalt  }
0x46: {  	_ =	shalt  }
0x47: {  	_ =	shalt  }
0x48: {  	_ =	shalt  }
0x49: {  	_ =	shalt  }
0x4a: {  	_ =	shalt  }
0x4b: {  	_ =	shalt  }
0x4c: {  	_ =	shalt  }
0x4d: {  	_ =	shalt  }
0x4e: {  	_ =	shalt  }
0x4f: {  	_ =	shalt  }
0x50: {  	_ =	shalt  }
0x51: {  	_ =	shalt  }
0x52: {  	_ =	shalt  }
0x53: {  	_ =	shalt  }
0x54: {  	_ =	shalt  }
0x55: {  	_ =	shalt  }
0x56: {  	_ =	shalt  }
0x57: {  	_ =	shalt  }
0x58: {  	_ =	shalt  }
0x59: {  	_ =	shalt  }
0x5a: {  	_ =	shalt  }
0x5b: {  	_ =	shalt  }
0x5c: {  	_ =	shalt  }
0x5d: {  	_ =	shalt  }
0x5e: {  	_ =	shalt  }
0x5f: {  	_ =	shalt  }
0x60: {  	_ =	shalt  }
0x61: {  	_ =	shalt  }
0x62: {  	_ =	shalt  }
0x63: {  	_ =	shalt  }
0x64: {  	_ =	shalt  }
0x65: {  	_ =	shalt  }
0x66: {  	_ =	shalt  }
0x67: {  	_ =	shalt  }
0x68: {  	_ =	shalt  }
0x69: {  	_ =	shalt  }
0x6a: {  	_ =	shalt  }
0x6b: {  	_ =	shalt  }
0x6c: {  	_ =	shalt  }
0x6d: {  	_ =	shalt  }
0x6e: {  	_ =	shalt  }
0x6f: {  	_ =	shalt  }
0x70: {  	_ =	shalt  }
0x71: {  	_ =	shalt  }
0x72: {  	_ =	shalt  }
0x73: {  	_ =	shalt  }
0x74: {  	_ =	shalt  }
0x75: {  	_ =	shalt  }
0x76: {  	_ =	shalt  }
0x77: {  	_ =	shalt  }
0x78: {  	_ =	shalt  }
0x79: {  	_ =	shalt  }
0x7a: {  	_ =	shalt  }
0x7b: {  	_ =	shalt  }
0x7c: {  	_ =	shalt  }
0x7d: {  	_ =	shalt  }
0x7e: {  	_ =	shalt  }
0x7f: {  	_ =	shalt  }
0x80: {  	_ =	shalt  }
0x81: {  	_ =	shalt  }
0x82: {  	_ =	shalt  }
0x83: {  	_ =	shalt  }
0x84: {  	_ =	shalt  }
0x85: {  	_ =	shalt  }
0x86: {  	_ =	shalt  }
0x87: {  	_ =	shalt  }
.Lfunc_end0:
.L_simem_size_0:
called_computation.3_lowered:
.L_overlay_start_0:
0x88: {  	s2 =	sld [smem:$0x3FD9]  }
0x89: {  	s3 =	sld [smem:$0x3FFE];
	_ =	sdelay $0x1  }
0x8a: {  	s1 =	srdreg.scid  }
0x8b: {  	s0 =	sand.u32 $0x1, s1  }
0x8c: {  	s17 =	sshll.u32 s0, $0xA;
	s2 =	sadd.s32 s3, s2  }
0x8d: {  	s2 =	sadd.s32 s2, s17  }
0x8e: {  	[smem:$0x3FC6] =	sst s2  }
0x8f: {  	_ = 	snop  }
0x90: {  	s2 =	sld [smem:$0x3FD0];
	(tm) =	ssettm $0x1  }
0x91: {  	s18 =	sld [smem:$0x3FFB];
	_ =	sdelay $0x3  }
0x92: {  	_ =	strace s18  }
0x93: {  	s3 =	sld [smem:$0x3FFC];
	_ =	sdelay $0x3  }
0x94: {  	_ =	strace s3  }
0x95: {  	s3 =	sld [smem:$0x3FFD];
	_ =	sdelay $0x3  }
0x96: {  	_ =	strace s3  }
0x97: {  	_ =	strace $0x8FFFFFFF  }
0x98: {  	s19 =	sld [smem:$0x3FDB];
	_ =	sdelay $0x1  }
0x99: {  	s4 =	simm.s32 $_scs_section_size  }
0x9a: {  	s5 =	simm.s32 $_size__tile_overlayer_lowered;
	s6 =	simm.s32 $_tile_overlayer_lowered  }
0x9b: {  	s22 =	simm.s32 $0x1BFF;
	s21 =	sshll.u32 s6, $0x1;
	s3 =	sadd.s32 s4, s19  }
0x9c: {  	s7 =	simm.s32 $0x0;
	s20 =	sshll.u32 s5, $0x1;
	s5 =	sadd.s32 s21, s3  }
0x9d: {  	[timem:s7], [sflag:s22] =	dma.local [hbm:s5], s20  }
0x9e: {  	_ =	swait.ge [sflag:s22], s20  }
0x9f: {  	s4 =	ssub.s32 $0x0, s20;
	[sflag:s22] =	ssyncset.done $0x0  }
0xa0: {  	[sflag:s22] =	ssyncadd.s32 s4;
	_ =	sdelay $0x1  }
0xa1: {  	s23 =	simm.s32 $0x1B8B  }
0xa2: {  	_ =	swait.ge [sflag:s23], $0x1  }
0xa3: {  	[sflag:s23] =	ssyncset.done $0x0  }
0xa4: {  	s25 =	simm.s32 $0x1B8E;
	s24 =	sld [smem:$0x3FFE];
	[sflag:s23] =	ssyncadd.s32 $0xFFFFFFFF  }
0xa5: {  	s26 =	simm.s32 $execute0_lowered;
	[smem:$0x3FD2] =	sst s25  }
0xa6: {  	s5 =	sshll.u32 s26, $0x1;
	_ =	strace $0x8000004C;
	[dreg:$0x1] =	wrdreg $0xFFFFFFFF  }
0xa7: {  	s28 =	simm.s32 $_size_execute0_lowered;
	s3 =	sadd.s32 s3, s5;
	[dreg:$0x0] =	wrdreg $0x0  }
0xa8: {  	s5 =	sshll.u32 s28, $0x1;
	[dreg:$0x2] =	wrdreg s3  }
0xa9: {  	[dreg:$0x3] =	wrdreg s5  }
0xaa: {  	[dreg:$0x4] =	wrdreg $0xC0  }
0xab: {  	_ =	task [dreg:s7], $0x5FFFF  }
0xac: {  	[dreg:$0x1] =	wrdreg $0xFFFFFFFF  }
0xad: {  	[dreg:$0x0] =	wrdreg $0x60  }
0xae: {  	[dreg:$0x2] =	wrdreg s2  }
0xaf: {  	[dreg:$0x3] =	wrdreg s24  }
0xb0: {  	[dreg:$0x4] =	wrdreg $0x9  }
0xb1: {  	_ =	task.clear_ibuf [dreg:s7], $0x5FFFF;
	_ =	strace $0x9000004C  }
0xb2: {  	s29 =	simm.s32 $0x9;
	_ =	strace $0x8000004E  }
0xb3: {  	_ =	swait.ge [sflag:s29], $0x1  }
0xb4: {  	[sflag:s29] =	ssyncadd.s32 $0xFFFFFFFF  }
0xb5: {  	_ =	strace $0x9000004E  }
0xb6: {  	_ =	sfence  }
0xb7: {  	s30 =	sld [smem:$0x0];
	_ =	sdelay $0x2  }
0xb8: {  	s31 =	sshll.u32 s1, $0xD;
	s1 =	sshrl.u32 s1, $0x2  }
0xb9: {  	s3 =	sand.u32 $0x4000, s31;
	s1 =	sadd.s32 s1, s30  }
0xba: {  	s0 =	sor.u32 s3, s0;
	s1 =	sshll.u32 s1, $0x11  }
0xbb: {  	s0 =	sor.u32 s1, s0  }
0xbc: {  	s0 =	sadd.s32 $0x8F2B, s0  }
0xbd: {  	[sflag:s0] =	ssyncadd.remote.s32 $0x1  }
0xbe: {  	_ =	sfence.sel $0xFFFF  }
0xbf: {  	[dreg:$0x0] =	wrdreg $0xFFFFFFFF;
	(pc) =	sbr.abs _section_cstart, $3  }
0xc0: {  	[dreg:$0x1] =	wrdreg $0xFFFFFFFF  }
0xc1: {  	_ =	task.clear_ibuf [dreg:s7], $0x2FFFF;
	_ =	strace $0x9FFFFFFF  }
0xc2: {  	(tm) =	ssettm $0x7FFFFFFF  }
0xc3: {  	_ =	shalt  }
tec
execute0_lowered:
.L_overlay_start_1:
0x0: {  	(tag) =	ssettag $0x1  }
0x1: {  	s1 =	rddreg [dreg:$0x0]  }
0x2: {  	s5 =	rddreg [dreg:$0x1]  }
0x3: {  	s0 =	rddreg [dreg:$0x2];
	s2 =	simm.s32 $0x0;
	s3 =	srdreg.scid  }
0x4: {  	s10 =	simm.s32 $0x200;
	s11 =	simm.s32 $0x4000;
	s12 =	simm.s32 $0x8000  }
0x5: {  	s13 =	simm.s32 $0xC000;
	s14 =	simm.s32 $0x10000;
	s15 =	simm.s32 $0x0  }
0x6: {  	[smem:$0x7FF] =	sst s2;
	s6 =	sand.u32 $0x1, s3;
	s4 =	sadd.s32 $0x1000, s5  }
0x7: {  	s3 =	stileid.u32;
	s5 =	sadd.s32 $0x101000, s5;
	s7 =	ssub.s32 $0x2, s6  }
0x8: {  	s9 =	sshll.u32 s3, $0x13;
	s6 =	sshll.u32 s6, $0x12;
	s8 =	sshrl.u32 s7, $0x1  }
0x9: {  	_ =	strace $0x8000004D;
	s6 =	sor.u32 s6, s9;
	s7 =	ssub.s32 s7, s8  }
0xa: {  	s9 =	simm.s32 $0x80;
	s8 =	simm.s32 $0x1;
	s7 =	smax.u32 s7, $0x1  }
.LBB2_1:
0xb: {  	s16 =	simm.s32 $0x0  }
.LBB2_2:
0xc: {  	s17 =	sshll.u32 s16, $0xE  }
0xd: {  	s17 =	sadd.s32 s6, s17  }
0xe: {  	s18 =	sshrl.u32 s17, $0x3  }
0xf: {  	s18 =	sadd.s32 s4, s18  }
0x10: {  	[tilespmem:s2], [sflag:$0x1] =	stream.linear.gather [hbm4b:s18+s2], $0x4000, $0x38;
	[tilespmem:$0x14000] =	vst v63  }
0x11: {  	_ =	swait.ge [sflag:s8], $0x4000  }
0x12: {  	s17 =	sshrl.u32 s17, $0x1;
	[sflag:s8] =	ssyncset.done $0x0  }
0x13: {  	s31 =	sadd.s32 s1, s17;
	[sflag:s8] =	ssyncadd.s32 $0xFFFFC000  }
0x14: {  	[tilespmem:s11], [sflag:$0x1] =	stream.strided.gather [hbm4b:s31+s9], $0x4000, s10, s9, $0x38;
	[tilespmem:$0x14000] =	vst v63  }
0x15: {  	_ =	swait.ge [sflag:s8], $0x4000  }
0x16: {  	s18 =	sor.u32 $0x10, s17;
	[sflag:s8] =	ssyncset.done $0x0  }
0x17: {  	s19 =	sadd.s32 s1, s18;
	[sflag:s8] =	ssyncadd.s32 $0xFFFFC000  }
0x18: {  	[tilespmem:s12], [sflag:$0x1] =	stream.strided.gather [hbm4b:s19+s9], $0x4000, s10, s9, $0x38;
	[tilespmem:$0x14000] =	vst v63  }
0x19: {  	_ =	swait.ge [sflag:s8], $0x4000  }
0x1a: {  	s19 =	sor.u32 $0x20, s17;
	[sflag:s8] =	ssyncset.done $0x0  }
0x1b: {  	s20 =	sadd.s32 s1, s19;
	[sflag:s8] =	ssyncadd.s32 $0xFFFFC000  }
0x1c: {  	[tilespmem:s13], [sflag:$0x1] =	stream.strided.gather [hbm4b:s20+s9], $0x4000, s10, s9, $0x38;
	[tilespmem:$0x14000] =	vst v63  }
0x1d: {  	_ =	swait.ge [sflag:s8], $0x4000  }
0x1e: {  	s20 =	sor.u32 $0x30, s17;
	[sflag:s8] =	ssyncset.done $0x0  }
0x1f: {  	s21 =	sadd.s32 s1, s20;
	[sflag:s8] =	ssyncadd.s32 $0xFFFFC000  }
0x20: {  	[tilespmem:s14], [sflag:$0x1] =	stream.strided.gather [hbm4b:s21+s9], $0x4000, s10, s9, $0x38;
	[tilespmem:$0x14000] =	vst v63  }
0x21: {  	_ =	swait.ge [sflag:s8], $0x4000  }
0x22: {  	[sflag:s8] =	ssyncset.done $0x0  }
0x23: {  	s23 =	simm.s32 $0x20;
	[sflag:s8] =	ssyncadd.s32 $0xFFFFC000  }
0x24: {  	s24 =	simm.s32 $0x4020;
	v0 =	vld [tilespmem:s23+$0xFFFFFFE0]  }
0x25: {  	v1 =	vld [tilespmem:s24+$0xFFFFFFE0];
	_ =	sdelay $0x4  }
0x26: {  	v1 =	vadd.f32 v1, v0;
	_ =	sdelay $0x1  }
0x27: {  	s25 =	simm.s32 $0x8020;
	[tilespmem:s24+$0xFFFFFFE0] =	vst v1  }
0x28: {  	v1 =	vld [tilespmem:s25+$0xFFFFFFE0];
	_ =	sdelay $0x4  }
0x29: {  	v1 =	vadd.f32 v1, v0;
	_ =	sdelay $0x1  }
0x2a: {  	s21 =	simm.s32 $0xC020;
	[tilespmem:s25+$0xFFFFFFE0] =	vst v1  }
0x2b: {  	v1 =	vld [tilespmem:s21+$0xFFFFFFE0];
	_ =	sdelay $0x4  }
0x2c: {  	v1 =	vadd.f32 v1, v0;
	_ =	sdelay $0x1  }
0x2d: {  	s22 =	simm.s32 $0x10020;
	[tilespmem:s21+$0xFFFFFFE0] =	vst v1  }
0x2e: {  	v1 =	vld [tilespmem:s22+$0xFFFFFFE0];
	_ =	sdelay $0x4  }
0x2f: {  	v0 =	vadd.f32 v1, v0;
	_ =	sdelay $0x1  }
0x30: {  	[tilespmem:s22+$0xFFFFFFE0] =	vst v0  }
0x31: {  	v0 =	vld [tilespmem:s23+$0xFFFFFFF0]  }
0x32: {  	v1 =	vld [tilespmem:s24+$0xFFFFFFF0];
	_ =	sdelay $0x4  }
0x33: {  	v1 =	vadd.f32 v1, v0;
	_ =	sdelay $0x1  }
0x34: {  	[tilespmem:s24+$0xFFFFFFF0] =	vst v1  }
0x35: {  	v1 =	vld [tilespmem:s25+$0xFFFFFFF0];
	_ =	sdelay $0x4  }
0x36: {  	v1 =	vadd.f32 v1, v0;
	_ =	sdelay $0x1  }
0x37: {  	[tilespmem:s25+$0xFFFFFFF0] =	vst v1  }
0x38: {  	v1 =	vld [tilespmem:s21+$0xFFFFFFF0];
	_ =	sdelay $0x4  }
0x39: {  	v1 =	vadd.f32 v1, v0;
	_ =	sdelay $0x1  }
0x3a: {  	[tilespmem:s21+$0xFFFFFFF0] =	vst v1  }
0x3b: {  	v1 =	vld [tilespmem:s22+$0xFFFFFFF0];
	_ =	sdelay $0x4  }
0x3c: {  	v0 =	vadd.f32 v1, v0;
	_ =	sdelay $0x1  }
0x3d: {  	[tilespmem:s22+$0xFFFFFFF0] =	vst v0  }
0x3e: {  	v0 =	vld [tilespmem:s23+$0x0]  }
0x3f: {  	v1 =	vld [tilespmem:s24+$0x0];
	_ =	sdelay $0x4  }
0x40: {  	v1 =	vadd.f32 v1, v0;
	_ =	sdelay $0x1  }
0x41: {  	[tilespmem:s24+$0x0] =	vst v1  }
0x42: {  	v1 =	vld [tilespmem:s25+$0x0];
	_ =	sdelay $0x4  }
0x43: {  	v1 =	vadd.f32 v1, v0;
	_ =	sdelay $0x1  }
0x44: {  	[tilespmem:s25+$0x0] =	vst v1  }
0x45: {  	v1 =	vld [tilespmem:s21+$0x0];
	_ =	sdelay $0x4  }
0x46: {  	v1 =	vadd.f32 v1, v0;
	_ =	sdelay $0x1  }
0x47: {  	[tilespmem:s21+$0x0] =	vst v1  }
0x48: {  	v1 =	vld [tilespmem:s22+$0x0];
	_ =	sdelay $0x4  }
0x49: {  	v0 =	vadd.f32 v1, v0;
	_ =	sdelay $0x1  }
0x4a: {  	[tilespmem:s22+$0x0] =	vst v0  }
0x4b: {  	v0 =	vld [tilespmem:s23+$0x10]  }
0x4c: {  	v1 =	vld [tilespmem:s24+$0x10];
	_ =	sdelay $0x4  }
0x4d: {  	v1 =	vadd.f32 v1, v0;
	_ =	sdelay $0x1  }
0x4e: {  	[tilespmem:s24+$0x10] =	vst v1  }
0x4f: {  	v1 =	vld [tilespmem:s25+$0x10];
	_ =	sdelay $0x4  }
0x50: {  	v1 =	vadd.f32 v1, v0;
	_ =	sdelay $0x1  }
0x51: {  	[tilespmem:s25+$0x10] =	vst v1  }
0x52: {  	v1 =	vld [tilespmem:s21+$0x10];
	_ =	sdelay $0x4  }
0x53: {  	v1 =	vadd.f32 v1, v0;
	_ =	sdelay $0x1  }
0x54: {  	[tilespmem:s21+$0x10] =	vst v1  }
0x55: {  	v1 =	vld [tilespmem:s22+$0x10];
	_ =	sdelay $0x1  }
0x56: {  	s28 =	simm.s32 $0x60;
	s26 =	simm.s32 $0x10020  }
0x57: {  	s23 =	simm.s32 $0x0;
	s24 =	simm.s32 $0x8060;
	s25 =	simm.s32 $0x4060  }
.LBB2_3:
0x58: {  	s23 =	sadd.s32 $0x4, s23;
	s22 =	sadd.s32 $0x40, s22;
	s21 =	sadd.s32 $0x40, s21  }
0x59: {  	p0 =	slt.u32 s23, $0x3FC;
	v0 =	vadd.f32 v1, v0;
	_ =	sdelay $0x1  }
0x5a: {  	[tilespmem:s26+$0x10] =	vst v0;
	s26 =	smov.u32 s22  }
0x5b: {  	v0 =	vld [tilespmem:s28+$0xFFFFFFE0]  }
0x5c: {  	v1 =	vld [tilespmem:s25+$0xFFFFFFE0];
	_ =	sdelay $0x4  }
0x5d: {  	v1 =	vadd.f32 v1, v0;
	_ =	sdelay $0x1  }
0x5e: {  	[tilespmem:s25+$0xFFFFFFE0] =	vst v1  }
0x5f: {  	v1 =	vld [tilespmem:s24+$0xFFFFFFE0];
	_ =	sdelay $0x4  }
0x60: {  	v1 =	vadd.f32 v1, v0;
	_ =	sdelay $0x1  }
0x61: {  	[tilespmem:s24+$0xFFFFFFE0] =	vst v1  }
0x62: {  	v1 =	vld [tilespmem:s21+$0xFFFFFFE0];
	_ =	sdelay $0x4  }
0x63: {  	v1 =	vadd.f32 v1, v0;
	_ =	sdelay $0x1  }
0x64: {  	[tilespmem:s21+$0xFFFFFFE0] =	vst v1  }
0x65: {  	v1 =	vld [tilespmem:s22+$0xFFFFFFE0];
	_ =	sdelay $0x4  }
0x66: {  	v0 =	vadd.f32 v1, v0;
	_ =	sdelay $0x1  }
0x67: {  	[tilespmem:s22+$0xFFFFFFE0] =	vst v0  }
0x68: {  	v0 =	vld [tilespmem:s28+$0xFFFFFFF0]  }
0x69: {  	v1 =	vld [tilespmem:s25+$0xFFFFFFF0];
	_ =	sdelay $0x4  }
0x6a: {  	v1 =	vadd.f32 v1, v0;
	_ =	sdelay $0x1  }
0x6b: {  	[tilespmem:s25+$0xFFFFFFF0] =	vst v1  }
0x6c: {  	v1 =	vld [tilespmem:s24+$0xFFFFFFF0];
	_ =	sdelay $0x4  }
0x6d: {  	v1 =	vadd.f32 v1, v0;
	_ =	sdelay $0x1  }
0x6e: {  	[tilespmem:s24+$0xFFFFFFF0] =	vst v1  }
0x6f: {  	v1 =	vld [tilespmem:s21+$0xFFFFFFF0];
	_ =	sdelay $0x4  }
0x70: {  	v1 =	vadd.f32 v1, v0;
	_ =	sdelay $0x1  }
0x71: {  	[tilespmem:s21+$0xFFFFFFF0] =	vst v1  }
0x72: {  	v1 =	vld [tilespmem:s22+$0xFFFFFFF0];
	_ =	sdelay $0x4  }
0x73: {  	v0 =	vadd.f32 v1, v0;
	_ =	sdelay $0x1  }
0x74: {  	[tilespmem:s22+$0xFFFFFFF0] =	vst v0  }
0x75: {  	v0 =	vld [tilespmem:s28+$0x0]  }
0x76: {  	v1 =	vld [tilespmem:s25+$0x0];
	_ =	sdelay $0x4  }
0x77: {  	v1 =	vadd.f32 v1, v0;
	_ =	sdelay $0x1  }
0x78: {  	[tilespmem:s25+$0x0] =	vst v1  }
0x79: {  	v1 =	vld [tilespmem:s24+$0x0];
	_ =	sdelay $0x4  }
0x7a: {  	v1 =	vadd.f32 v1, v0;
	_ =	sdelay $0x1  }
0x7b: {  	[tilespmem:s24+$0x0] =	vst v1  }
0x7c: {  	v1 =	vld [tilespmem:s21+$0x0];
	_ =	sdelay $0x4  }
0x7d: {  	v1 =	vadd.f32 v1, v0;
	_ =	sdelay $0x1  }
0x7e: {  	[tilespmem:s21+$0x0] =	vst v1  }
0x7f: {  	v1 =	vld [tilespmem:s22+$0x0];
	_ =	sdelay $0x4  }
0x80: {  	v0 =	vadd.f32 v1, v0;
	_ =	sdelay $0x1  }
0x81: {  	[tilespmem:s22+$0x0] =	vst v0  }
0x82: {  	v0 =	vld [tilespmem:s28+$0x10]  }
0x83: {  	v1 =	vld [tilespmem:s25+$0x10];
	_ =	sdelay $0x4  }
0x84: {  	v1 =	vadd.f32 v1, v0;
	_ =	sdelay $0x1  }
0x85: {  	[tilespmem:s25+$0x10] =	vst v1  }
0x86: {  	v1 =	vld [tilespmem:s24+$0x10];
	_ =	sdelay $0x4  }
0x87: {  	v1 =	vadd.f32 v1, v0;
	_ =	sdelay $0x1  }
0x88: {  	[tilespmem:s24+$0x10] =	vst v1  }
0x89: {  	v1 =	vld [tilespmem:s21+$0x10];
	_ =	sdelay $0x4  }
0x8a: {  	v1 =	vadd.f32 v1, v0;
	_ =	sdelay $0x1  }
.Ltmp0:
0x8b: {  	[tilespmem:s21+$0x10] =	vst v1;
	(pc) =	sbr.rel @p0 .LBB2_3-.Ltmp0, $2  }
0x8c: {  	v1 =	vld [tilespmem:s22+$0x10];
	_ =	sdelay $0x2  }
0x8d: {  	s28 =	sadd.s32 $0x40, s28;
	s25 =	sadd.s32 $0x40, s25;
	s24 =	sadd.s32 $0x40, s24  }
0x8e: {  	_ = 	snop  }
0x8f: {  	v0 =	vadd.f32 v1, v0;
	_ =	sdelay $0x1  }
0x90: {  	s17 =	sadd.s32 s5, s17;
	[tilespmem:s26+$0x10] =	vst v0  }
0x91: {  	[hbm4b:s17+s9] =	stream.strided.scatter [tilespmem:s11], [sflag:$0x1], $0x4000, s10, s9, $0x38;
	[tilespmem:$0x14000] =	vst v63  }
0x92: {  	_ =	swait.ge [sflag:s8], $0x4000  }
0x93: {  	[sflag:s8] =	ssyncset.done $0x0  }
0x94: {  	s29 =	sadd.s32 s5, s18;
	[sflag:s8] =	ssyncadd.s32 $0xFFFFC000  }
0x95: {  	[hbm4b:s29+s9] =	stream.strided.scatter [tilespmem:s12], [sflag:$0x1], $0x4000, s10, s9, $0x38;
	[tilespmem:$0x14000] =	vst v63  }
0x96: {  	_ =	swait.ge [sflag:s8], $0x4000  }
0x97: {  	[sflag:s8] =	ssyncset.done $0x0  }
0x98: {  	s30 =	sadd.s32 s5, s19;
	[sflag:s8] =	ssyncadd.s32 $0xFFFFC000  }
0x99: {  	[hbm4b:s30+s9] =	stream.strided.scatter [tilespmem:s13], [sflag:$0x1], $0x4000, s10, s9, $0x38;
	[tilespmem:$0x14000] =	vst v63  }
0x9a: {  	s16 =	sadd.s32 $0x1, s16;
	_ =	swait.ge [sflag:s8], $0x4000  }
0x9b: {  	p0 =	sne.s32 s16, $0x10;
	[sflag:s8] =	ssyncset.done $0x0  }
.Ltmp1:
0x9c: {  	s31 =	sadd.s32 s5, s20;
	[sflag:s8] =	ssyncadd.s32 $0xFFFFC000;
	(pc) =	sbr.rel @p0 .LBB2_2-.Ltmp1, $4  }
0x9d: {  	[hbm4b:s31+s9] =	stream.strided.scatter [tilespmem:s14], [sflag:$0x1], $0x4000, s10, s9, $0x38;
	[tilespmem:$0x14000] =	vst v63  }
0x9e: {  	_ =	swait.ge [sflag:s8], $0x4000  }
0x9f: {  	[sflag:s8] =	ssyncset.done $0x0  }
0xa0: {  	[sflag:s8] =	ssyncadd.s32 $0xFFFFC000  }
0xa1: {  	s15 =	sadd.s32 $0x1, s15  }
0xa2: {  	p0 =	sne.s32 s15, s7  }
.Ltmp2:
0xa3: {  	_ = 	snop;
	(pc) =	sbr.rel @p0 .LBB2_1-.Ltmp2, $1  }
0xa4: {  	_ =	sdelay $0x3  }
0xa5: {  	_ =	sfence.sel $0x180000  }
0xa6: {  	[bflag:$0x0] =	sbarrier.arrive $0xFFFF  }
0xa7: {  	p0 =	sne.s32 s3, $0x0;
	_ =	strace $0x9000004D  }
0xa8: {  	s0 =	sadd.s32 @!p0 $0x100000, s0;
	[bflag:$0x2] =	sbarrier.arrive $0xFFFF  }
0xa9: {  	[sflag:s0] =	ssyncadd.tile.s32 @!p0 $0x1;
	_ =	shalt  }
.Lfunc_end2:
_tile_overlayer_lowered:
.L_overlay_start_2:
0xaa: {  	(tag) =	ssettag $0x2  }
0xab: {  	s0 =	rddreg [dreg:$0x0];
	s2 =	stileid.u32  }
0xac: {  	s1 =	rddreg [dreg:$0x1];
	p0 =	sne.s32 s2, $0x0  }
0xad: {  	s3 =	rddreg [dreg:$0x2];
	[bflag:$0x3] =	sbarrier.arrive $0xFFFF;
	s2 =	simm.s32 @!p0 $0x1C01  }
0xae: {  	[timem:s3], [sflag:s2] =	dma.local @!p0 [hbm:s0], s1  }
0xaf: {  	s0 =	simm.s32 @!p0 $0x1  }
0xb0: {  	_ =	swait.ge @!p0 [sflag:s0], s1  }
0xb1: {  	s1 =	ssub.s32 @!p0 $0x0, s1;
	[sflag:s0] =	ssyncset.done @!p0 $0x0  }
0xb2: {  	[sflag:s0] =	ssyncadd.s32 @!p0 s1  }
0xb3: {  	[bflag:$0x3] =	sbarrier.arrive $0xFFFF  }
0xb4: {  	_ =	shalt  }

// kernel: sparse-core-data-format-call.1.cloned.1.call-start
scs
called_computation.1_lowered:
.L_overlay_start_0:
0x0: {  	s2 =	sld [smem:$0x3FD9]  }
0x1: {  	s3 =	sld [smem:$0x3FFE];
	_ =	sdelay $0x1  }
0x2: {  	s1 =	srdreg.scid  }
0x3: {  	s0 =	sand.u32 $0x1, s1  }
0x4: {  	s18 =	sshll.u32 s0, $0xA;
	s2 =	sadd.s32 s3, s2  }
0x5: {  	s2 =	sadd.s32 s2, s18  }
0x6: {  	[smem:$0x3FC6] =	sst s2  }
0x7: {  	_ = 	snop  }
0x8: {  	s2 =	sld [smem:$0x3FC8];
	(tm) =	ssettm $0x1  }
0x9: {  	s19 =	sld [smem:$0x3FFB];
	_ =	sdelay $0x3  }
0xa: {  	_ =	strace s19  }
0xb: {  	s3 =	sld [smem:$0x3FFC];
	_ =	sdelay $0x3  }
0xc: {  	_ =	strace s3  }
0xd: {  	s3 =	sld [smem:$0x3FFD];
	_ =	sdelay $0x3  }
0xe: {  	_ =	strace s3  }
0xf: {  	_ =	strace $0x8FFFFFFF  }
0x10: {  	s20 =	sld [smem:$0x3FDB];
	_ =	sdelay $0x1  }
0x11: {  	s4 =	simm.s32 $_scs_section_size  }
0x12: {  	s5 =	simm.s32 $_size__tile_overlayer_lowered;
	s6 =	simm.s32 $_tile_overlayer_lowered  }
0x13: {  	s23 =	simm.s32 $0x1BFF;
	s22 =	sshll.u32 s6, $0x1;
	s3 =	sadd.s32 s4, s20  }
0x14: {  	s7 =	simm.s32 $0x0;
	s21 =	sshll.u32 s5, $0x1;
	s5 =	sadd.s32 s22, s3  }
0x15: {  	[timem:s7], [sflag:s23] =	dma.local [hbm:s5], s21  }
0x16: {  	_ =	swait.ge [sflag:s23], s21  }
0x17: {  	s4 =	ssub.s32 $0x0, s21;
	[sflag:s23] =	ssyncset.done $0x0  }
0x18: {  	[sflag:s23] =	ssyncadd.s32 s4;
	_ =	sdelay $0x1  }
0x19: {  	s24 =	simm.s32 $0x1B8B  }
0x1a: {  	_ =	swait.ge [sflag:s24], $0x1  }
0x1b: {  	[sflag:s24] =	ssyncset.done $0x0  }
0x1c: {  	s26 =	simm.s32 $0x1B8E;
	s25 =	sld [smem:$0x3FFE];
	[sflag:s24] =	ssyncadd.s32 $0xFFFFFFFF  }
0x1d: {  	s27 =	simm.s32 $execute0_lowered;
	[smem:$0x3FD2] =	sst s26  }
0x1e: {  	s5 =	sshll.u32 s27, $0x1;
	_ =	strace $0x80000046;
	[dreg:$0x1] =	wrdreg $0xFFFFFFFF  }
0x1f: {  	s28 =	simm.s32 $_size_execute0_lowered;
	s3 =	sadd.s32 s3, s5;
	[dreg:$0x0] =	wrdreg $0x0  }
0x20: {  	s5 =	sshll.u32 s28, $0x1;
	[dreg:$0x2] =	wrdreg s3  }
0x21: {  	[dreg:$0x3] =	wrdreg s5  }
0x22: {  	[dreg:$0x4] =	wrdreg $0xC0  }
0x23: {  	_ =	task [dreg:s7], $0x5FFFF  }
0x24: {  	[dreg:$0x1] =	wrdreg $0xFFFFFFFF  }
0x25: {  	[dreg:$0x0] =	wrdreg $0x60  }
0x26: {  	[dreg:$0x2] =	wrdreg s2  }
0x27: {  	[dreg:$0x3] =	wrdreg s25  }
0x28: {  	[dreg:$0x4] =	wrdreg $0x9  }
0x29: {  	_ =	task.clear_ibuf [dreg:s7], $0x5FFFF;
	_ =	strace $0x90000046  }
0x2a: {  	s29 =	simm.s32 $0x9;
	_ =	strace $0x80000048  }
0x2b: {  	_ =	swait.ge [sflag:s29], $0x1  }
0x2c: {  	[sflag:s29] =	ssyncadd.s32 $0xFFFFFFFF  }
0x2d: {  	_ =	strace $0x90000048  }
0x2e: {  	_ =	sfence  }
0x2f: {  	s30 =	sld [smem:$0x0];
	_ =	sdelay $0x2  }
0x30: {  	s31 =	sshll.u32 s1, $0xD;
	s1 =	sshrl.u32 s1, $0x2  }
0x31: {  	s3 =	sand.u32 $0x4000, s31;
	s1 =	sadd.s32 s1, s30  }
0x32: {  	s0 =	sor.u32 s3, s0;
	s1 =	sshll.u32 s1, $0x11  }
0x33: {  	s0 =	sor.u32 s1, s0  }
0x34: {  	s0 =	sadd.s32 $0x8F2B, s0  }
0x35: {  	[sflag:s0] =	ssyncadd.remote.s32 $0x1  }
0x36: {  	_ =	sfence.sel $0xFFFF  }
0x37: {  	[dreg:$0x0] =	wrdreg $0xFFFFFFFF;
	(pc) =	sbr.abs _section_cstart, $3  }
0x38: {  	[dreg:$0x1] =	wrdreg $0xFFFFFFFF  }
0x39: {  	_ =	task.clear_ibuf [dreg:s7], $0x2FFFF;
	_ =	strace $0x9FFFFFFF  }
0x3a: {  	(tm) =	ssettm $0x7FFFFFFF  }
0x3b: {  	_ =	shalt  }
tec
execute0_lowered:
.L_overlay_start_1:
0x0: {  	(tag) =	ssettag $0x1  }
0x1: {  	s0 =	srdreg.scid  }
0x2: {  	s1 =	sshll.u32 s0, $0x4  }
0x3: {  	s2 =	rddreg [dreg:$0x0];
	s0 =	stileid.u32;
	s1 =	sand.u32 $0x10, s1  }
0x4: {  	s4 =	rddreg [dreg:$0x1];
	s7 =	simm.s32 $0x1;
	s1 =	sor.u32 s0, s1  }
0x5: {  	s8 =	simm.s32 $0x2;
	s9 =	simm.s32 $0x0;
	s3 =	sshll.u32 s1, $0x1  }
0x6: {  	s12 =	simm.s32 $0x0;
	s11 =	simm.s32 $0x0;
	s6 =	ssub.s32 $0x400, s3  }
.Ltmp0:
0x7: {  	s4 =	sadd.s32 $0x1000, s4;
	s5 =	sand.u32 $0x3E, s6;
	(pc) =	sbr.rel .LBB1_1-.Ltmp0, $4  }
0x8: {  	s1 =	rddreg [dreg:$0x2];
	_ =	strace $0x80000047;
	p0 =	sne.s32 s5, $0x0  }
0x9: {  	s6 =	sshrl.u32 s6, $0x6;
	s5 =	simm.s32 $0x1;
	s7 =	simm.s32 @!p0 $0x0  }
0xa: {  	s10 =	smov.u32 s3;
	[sflag:s5] =	ssyncpa.u1 $0x0;
	s6 =	sadd.s32 s7, s6  }
0xb: {  	[sflag:s8] =	ssyncpa.u1 $0x0;
	s8 =	simm.s32 $0x0;
	s7 =	sadd.s32 $0x1, s6  }
.LBB1_9:
0xc: {  	s14 =	sadd.s32 $0x40, s10  }
0xd: {  	p1 =	sgt.s32 s14, $0x3FF  }
0xe: {  	s14 =	smov.u32 @p1 s3;
	p1 =	sne.s32 s11, s7  }
.Ltmp1:
0xf: {  	p0 =	slt.u32 s11, $0x2;
	(pc) =	sbr.rel @!p1 .LBB1_10-.Ltmp1, $4  }
0x10: {  	s13 =	simm.s32 @!p0 $0x2  }
0x11: {  	s15 =	sadd.s32 $0x1, s11;
	_ =	swait.ge @!p0 [sflag:s13], $0x4000  }
0x12: {  	s12 =	smov.u32 s10;
	s9 =	sadd.s32 $0x4000, s9;
	[sflag:s13] =	ssyncset.done @!p0 $0x0  }
0x13: {  	s11 =	smov.u32 s15;
	s10 =	smov.u32 s14;
	[sflag:s13] =	ssyncadd.s32 @!p0 $0xFFFFC000  }
.LBB1_1:
0x14: {  	p0 =	sge.u32 s11, s6  }
0x15: {  	s13 =	sxor.u32 @!p0 $0xFFFFFFFF, s11  }
0x16: {  	s31 =	sadd.s32 $0xFFFFFFFF, s11;
	s14 =	sshll.u32 @!p0 s10, $0xA;
	s13 =	sshll.u32 @!p0 s13, $0xE  }
0x17: {  	s15 =	simm.s32 @!p0 $0x0;
	s14 =	sadd.s32 @!p0 s2, s14;
	s13 =	sand.u32 @!p0 $0x4000, s13  }
0x18: {  	[tilespmem:s13], [sflag:$0x1] =	stream.linear.gather @!p0 [hbm4b:s14+s15], $0x4000, $0x38;
	[tilespmem:$0x10000] =	vst v63  }
0x19: {  	p0 =	sge.u32 s31, s6  }
.Ltmp2:
0x1a: {  	_ = 	snop;
	(pc) =	sbr.rel @p0 .LBB1_9-.Ltmp2, $1  }
0x1b: {  	_ =	sdelay $0x3  }
0x1c: {  	s13 =	sshll.u32 s9, $0x2  }
0x1d: {  	_ =	swait.ge [sflag:s5], $0x4000;
	s14 =	sshll.u32 s11, $0xE;
	s16 =	simm.s32 $0x0  }
0x1e: {  	p1 =	por $0x1, $0x1;
	s13 =	sand.u32 $0x10000, s13;
	[sflag:s5] =	ssyncset.done $0x0  }
0x1f: {  	s14 =	sand.u32 $0x4000, s14;
	s15 =	sshrl.u32 s13, $0x2;
	[sflag:s5] =	ssyncadd.s32 $0xFFFFC000  }
0x20: {  	s13 =	sor.u32 $0x8000, s14;
	s14 =	sadd.s32 $0x8040, s15;
	s15 =	sadd.s32 $0x40, s15  }
.LBB1_3:
0x21: {  	s16 =	sshll.u32 s16, $0x2  }
0x22: {  	p0 =	por p1, p1;
	s17 =	sshra.s32 s16, $0x2  }
0x23: {  	s18 =	simm.s32 $0x0;
	s16 =	sadd.s32 s17, s14;
	s17 =	sadd.s32 s17, s15  }
.LBB1_4:
0x24: {  	v0 =	vmov s17;
	_ =	sdelay $0x3  }
0x25: {  	s20 =	simm.s32 $0x0  }
0x26: {  	v6 =	vld.idx.msk [tilespmem:v0+s20+$0x30 ss:$0x1], $0xffff  }
0x27: {  	v7 =	vld.idx.msk [tilespmem:v0+s20+$0xFFFFFFC0 ss:$0x1], $0xffff  }
0x28: {  	v5 =	vld.idx.msk [tilespmem:v0+s20+$0xFFFFFFD0 ss:$0x1], $0xffff  }
0x29: {  	v4 =	vld.idx.msk [tilespmem:v0+s20+$0xFFFFFFE0 ss:$0x1], $0xffff  }
0x2a: {  	v3 =	vld.idx.msk [tilespmem:v0+s20+$0xFFFFFFF0 ss:$0x1], $0xffff  }
0x2b: {  	v1 =	vld.idx.msk [tilespmem:v0+s20+$0x0 ss:$0x1], $0xffff  }
0x2c: {  	v2 =	vld.idx.msk [tilespmem:v0+s20+$0x10 ss:$0x1], $0xffff;
	[tilespmem:s16+$0x30] =	vst v6  }
0x2d: {  	s19 =	simm.s32 $0x80;
	s21 =	simm.s32 $0x400;
	[tilespmem:s16+$0xFFFFFFC0] =	vst v7;
	v6 =	vld.idx.msk [tilespmem:v0+s20+$0x20 ss:$0x1], $0xffff;
	s20 =	smov.u32 s16  }
.LBB1_5:
0x2e: {  	p1 =	sne.s32 s21, $0xE00;
	v7 =	vld.idx.msk [tilespmem:v0+s19+$0x30 ss:$0x1], $0xffff;
	[tilespmem:s20+$0xFFFFFFD0] =	vst v5  }
0x2f: {  	v8 =	vld.idx.msk [tilespmem:v0+s19+$0xFFFFFFC0 ss:$0x1], $0xffff;
	[tilespmem:s20+$0xFFFFFFE0] =	vst v4  }
0x30: {  	v5 =	vld.idx.msk [tilespmem:v0+s19+$0xFFFFFFD0 ss:$0x1], $0xffff;
	[tilespmem:s20+$0xFFFFFFF0] =	vst v3  }
.Ltmp3:
0x31: {  	v4 =	vld.idx.msk [tilespmem:v0+s19+$0xFFFFFFE0 ss:$0x1], $0xffff;
	[tilespmem:s20+$0x0] =	vst v1;
	(pc) =	sbr.rel @p1 .LBB1_5-.Ltmp3, $4  }
0x32: {  	v3 =	vld.idx.msk [tilespmem:v0+s19+$0xFFFFFFF0 ss:$0x1], $0xffff;
	[tilespmem:s20+$0x10] =	vst v2  }
0x33: {  	v1 =	vld.idx.msk [tilespmem:v0+s19+$0x0 ss:$0x1], $0xffff;
	[tilespmem:s20+$0x20] =	vst v6;
	s20 =	sadd.s32 $0x400, s20  }
0x34: {  	v2 =	vld.idx.msk [tilespmem:v0+s19+$0x10 ss:$0x1], $0xffff;
	[tilespmem:s20+$0x30] =	vst v7  }
0x35: {  	[tilespmem:s20+$0xFFFFFFC0] =	vst v8;
	v6 =	vld.idx.msk [tilespmem:v0+s19+$0x20 ss:$0x1], $0xffff;
	s19 =	sshra.s32 s21, $0x2;
	s21 =	sadd.s32 $0x200, s21  }
0x36: {  	_ =	sdelay $0x2  }
0x37: {  	[tilespmem:s20+$0xFFFFFFD0] =	vst v5  }
0x38: {  	v56 =	vld.idx.msk [tilespmem:v0+s19+$0x30 ss:$0x1], $0xffff;
	[tilespmem:s20+$0xFFFFFFE0] =	vst v4  }
0x39: {  	v57 =	vld.idx.msk [tilespmem:v0+s19+$0xFFFFFFC0 ss:$0x1], $0xffff;
	[tilespmem:s20+$0xFFFFFFF0] =	vst v3  }
0x3a: {  	v58 =	vld.idx.msk [tilespmem:v0+s19+$0xFFFFFFD0 ss:$0x1], $0xffff;
	[tilespmem:s20+$0x0] =	vst v1  }
0x3b: {  	v59 =	vld.idx.msk [tilespmem:v0+s19+$0xFFFFFFE0 ss:$0x1], $0xffff;
	[tilespmem:s20+$0x10] =	vst v2  }
0x3c: {  	v60 =	vld.idx.msk [tilespmem:v0+s19+$0xFFFFFFF0 ss:$0x1], $0xffff;
	s31 =	sadd.s32 $0x400, s20;
	[tilespmem:s20+$0x20] =	vst v6  }
0x3d: {  	v61 =	vld.idx.msk [tilespmem:v0+s19+$0x0 ss:$0x1], $0xffff;
	[tilespmem:s31+$0x30] =	vst v56  }
0x3e: {  	v62 =	vld.idx.msk [tilespmem:v0+s19+$0x10 ss:$0x1], $0xffff;
	s18 =	sadd.s32 $0x1, s18;
	[tilespmem:s31+$0xFFFFFFC0] =	vst v57  }
0x3f: {  	v63 =	vld.idx.msk [tilespmem:v0+s19+$0x20 ss:$0x1], $0xffff;
	p1 =	sne.s32 s18, $0x8;
	[tilespmem:s31+$0xFFFFFFD0] =	vst v58  }
.Ltmp4:
0x40: {  	[tilespmem:s31+$0xFFFFFFE0] =	vst v59;
	(pc) =	sbr.rel @p1 .LBB1_4-.Ltmp4, $4  }
0x41: {  	[tilespmem:s31+$0xFFFFFFF0] =	vst v60  }
0x42: {  	[tilespmem:s31+$0x0] =	vst v61  }
0x43: {  	[tilespmem:s31+$0x10] =	vst v62  }
0x44: {  	s16 =	sadd.s32 $0x80, s16;
	s17 =	sadd.s32 $0x400, s17;
	[tilespmem:s31+$0x20] =	vst v63  }
.Ltmp5:
0x45: {  	(pc) =	sbr.rel @p0 .LBB1_3-.Ltmp5, $2  }
0x46: {  	_ =	sdelay $0x2  }
0x47: {  	s16 =	simm.s32 $0x2000;
	p1 =	por $0x0, $0x0  }
.Ltmp6:
0x48: {  	(pc) =	sbr.rel .LBB1_9-.Ltmp6, $4  }
0x49: {  	_ = 	snop  }
0x4a: {  	s12 =	sshll.u32 s12, $0xA  }
0x4b: {  	s12 =	sadd.s32 s4, s12  }
0x4c: {  	[hbm4b:s12+s8] =	stream.linear.scatter [tilespmem:s13], [sflag:$0x2], $0x4000, $0x38;
	[tilespmem:$0x10000] =	vst v63  }
.LBB1_10:
0x4d: {  	_ =	sfence.sel $0x180000  }
0x4e: {  	s2 =	simm.s32 $0x1;
	[bflag:$0x0] =	sbarrier.arrive $0xFFFF  }
0x4f: {  	s31 =	simm.s32 $0x2;
	[sflag:s2] =	ssyncpa.u1 $0x1  }
0x50: {  	[sflag:s31] =	ssyncpa.u1 $0x1  }
0x51: {  	p0 =	sne.s32 s0, $0x0;
	_ =	strace $0x90000047  }
0x52: {  	s0 =	sadd.s32 @!p0 $0x100000, s1;
	[bflag:$0x2] =	sbarrier.arrive $0xFFFF  }
0x53: {  	[sflag:s0] =	ssyncadd.tile.s32 @!p0 $0x1;
	_ =	shalt  }
.Lfunc_end1:
_tile_overlayer_lowered:
.L_overlay_start_2:
0x54: {  	(tag) =	ssettag $0x2  }
0x55: {  	s0 =	rddreg [dreg:$0x0];
	s2 =	stileid.u32  }
0x56: {  	s1 =	rddreg [dreg:$0x1];
	p0 =	sne.s32 s2, $0x0  }
0x57: {  	s3 =	rddreg [dreg:$0x2];
	[bflag:$0x3] =	sbarrier.arrive $0xFFFF;
	s2 =	simm.s32 @!p0 $0x1C01  }
0x58: {  	[timem:s3], [sflag:s2] =	dma.local @!p0 [hbm:s0], s1  }
0x59: {  	s0 =	simm.s32 @!p0 $0x1  }
0x5a: {  	_ =	swait.ge @!p0 [sflag:s0], s1  }
0x5b: {  	s1 =	ssub.s32 @!p0 $0x0, s1;
	[sflag:s0] =	ssyncset.done @!p0 $0x0  }
0x5c: {  	[sflag:s0] =	ssyncadd.s32 @!p0 s1  }
0x5d: {  	[bflag:$0x3] =	sbarrier.arrive $0xFFFF  }
0x5e: {  	_ =	shalt  }

// kernel: sparse-core-data-format-call.2.cloned.1.call-start
scs
called_computation.2_lowered:
.L_overlay_start_0:
0x0: {  	s2 =	sld [smem:$0x3FD9]  }
0x1: {  	s3 =	sld [smem:$0x3FFE];
	_ =	sdelay $0x1  }
0x2: {  	s1 =	srdreg.scid  }
0x3: {  	s0 =	sand.u32 $0x1, s1  }
0x4: {  	s19 =	sshll.u32 s0, $0xA;
	s2 =	sadd.s32 s3, s2  }
0x5: {  	s2 =	sadd.s32 s2, s19  }
0x6: {  	[smem:$0x3FC6] =	sst s2  }
0x7: {  	_ = 	snop  }
0x8: {  	s20 =	sld [smem:$0x3FC9]  }
0x9: {  	s4 =	sld [smem:$0x3FD0];
	(tm) =	ssettm $0x1  }
0xa: {  	s21 =	sld [smem:$0x3FFB];
	_ =	sdelay $0x3  }
0xb: {  	_ =	strace s21  }
0xc: {  	s2 =	sld [smem:$0x3FFC];
	_ =	sdelay $0x3  }
0xd: {  	_ =	strace s2  }
0xe: {  	s2 =	sld [smem:$0x3FFD];
	_ =	sdelay $0x3  }
0xf: {  	_ =	strace s2  }
0x10: {  	_ =	strace $0x8FFFFFFF  }
0x11: {  	s22 =	sld [smem:$0x3FDB];
	_ =	sdelay $0x1  }
0x12: {  	s5 =	simm.s32 $_scs_section_size  }
0x13: {  	s6 =	simm.s32 $_size__tile_overlayer_lowered;
	s7 =	simm.s32 $_tile_overlayer_lowered  }
0x14: {  	s8 =	simm.s32 $0x1BFF;
	s23 =	sshll.u32 s7, $0x1;
	s5 =	sadd.s32 s5, s22  }
0x15: {  	s24 =	simm.s32 $0x0;
	s6 =	sshll.u32 s6, $0x1;
	s7 =	sadd.s32 s23, s5  }
0x16: {  	[timem:s24], [sflag:s8] =	dma.local [hbm:s7], s6  }
0x17: {  	_ =	swait.ge [sflag:s8], s6  }
0x18: {  	s6 =	ssub.s32 $0x0, s6;
	[sflag:s8] =	ssyncset.done $0x0  }
0x19: {  	[sflag:s8] =	ssyncadd.s32 s6;
	_ =	sdelay $0x1  }
0x1a: {  	s25 =	simm.s32 $0x1B8B  }
0x1b: {  	_ =	swait.ge [sflag:s25], $0x1  }
0x1c: {  	[sflag:s25] =	ssyncset.done $0x0  }
0x1d: {  	[sflag:s25] =	ssyncadd.s32 $0xFFFFFFFF  }
0x1e: {  	s6 =	sld [smem:$0x0]  }
0x1f: {  	s7 =	sand.u32 $0xFFFFFFFE, s1  }
0x20: {  	p0 =	sne.s32 s1, s7  }
0x21: {  	s7 =	sshll.u32 @p0 s7, $0xE  }
0x22: {  	s7 =	sadd.s32 @p0 $0x11B8D, s7;
	s8 =	sshll.u32 @p0 s6, $0x11  }
0x23: {  	s7 =	sor.u32 @p0 s8, s7  }
0x24: {  	[sflag:s7] =	ssyncadd.remote.s32 @p0 $0x1;
	_ =	sdelay $0x1  }
0x25: {  	s7 =	simm.s32 @p0 $0x1B8D  }
0x26: {  	_ =	swait.eq @p0 [sflag:s7], $0x1  }
0x27: {  	[sflag:s7] =	ssyncadd.s32 @p0 $0xFFFFFFFF  }
0x28: {  	s8 =	sshll.u32 @!p0 s1, $0xE  }
0x29: {  	s8 =	sor.u32 @!p0 $0x4000, s8;
	s7 =	simm.s32 @!p0 $0x1B8D  }
0x2a: {  	s6 =	sshll.u32 @!p0 s6, $0x11;
	s8 =	sadd.s32 @!p0 $0x11B8D, s8;
	_ =	swait.eq @!p0 [sflag:s7], $0x1  }
0x2b: {  	s6 =	sor.u32 @!p0 s6, s8;
	[sflag:s7] =	ssyncadd.s32 @!p0 $0xFFFFFFFF  }
0x2c: {  	s26 =	simm.s32 $0x1B8E;
	[sflag:s6] =	ssyncadd.remote.s32 @!p0 $0x1  }
0x2d: {  	s27 =	simm.s32 $execute0_lowered;
	[smem:$0x3FD2] =	sst s26  }
0x2e: {  	s6 =	sshll.u32 s27, $0x1;
	_ =	strace $0x80000049;
	[dreg:$0x1] =	wrdreg $0xFFFFFFFF  }
0x2f: {  	s28 =	simm.s32 $_size_execute0_lowered;
	s5 =	sadd.s32 s5, s6;
	[dreg:$0x0] =	wrdreg $0x0  }
0x30: {  	s6 =	sshll.u32 s28, $0x1;
	[dreg:$0x2] =	wrdreg s5  }
0x31: {  	[dreg:$0x3] =	wrdreg s6  }
0x32: {  	[dreg:$0x4] =	wrdreg $0xC0  }
0x33: {  	_ =	task [dreg:s24], $0x5FFFF  }
0x34: {  	[dreg:$0x1] =	wrdreg $0xFFFFFFFF  }
0x35: {  	[dreg:$0x0] =	wrdreg $0x60  }
0x36: {  	[dreg:$0x2] =	wrdreg s20  }
0x37: {  	[dreg:$0x3] =	wrdreg s4  }
0x38: {  	[dreg:$0x4] =	wrdreg $0xA  }
0x39: {  	_ =	task.clear_ibuf [dreg:s24], $0x5FFFF;
	_ =	strace $0x90000049  }
0x3a: {  	s29 =	simm.s32 $0xA;
	_ =	strace $0x8000004B  }
0x3b: {  	_ =	swait.ge [sflag:s29], $0x1  }
0x3c: {  	[sflag:s29] =	ssyncadd.s32 $0xFFFFFFFF  }
0x3d: {  	_ =	strace $0x9000004B  }
0x3e: {  	_ =	sfence  }
0x3f: {  	s30 =	sld [smem:$0x0];
	_ =	sdelay $0x2  }
0x40: {  	s31 =	sshll.u32 s1, $0xD;
	s1 =	sshrl.u32 s1, $0x2  }
0x41: {  	s4 =	sand.u32 $0x4000, s31;
	s1 =	sadd.s32 s1, s30  }
0x42: {  	s0 =	sor.u32 s4, s0;
	s1 =	sshll.u32 s1, $0x11  }
0x43: {  	s0 =	sor.u32 s1, s0  }
0x44: {  	s0 =	sadd.s32 $0x8F2B, s0  }
0x45: {  	[sflag:s0] =	ssyncadd.remote.s32 $0x1  }
0x46: {  	_ =	sfence.sel $0xFFFF  }
0x47: {  	[dreg:$0x0] =	wrdreg $0xFFFFFFFF;
	(pc) =	sbr.abs _section_cstart, $3  }
0x48: {  	[dreg:$0x1] =	wrdreg $0xFFFFFFFF  }
0x49: {  	_ =	task.clear_ibuf [dreg:s24], $0x2FFFF;
	_ =	strace $0x9FFFFFFF  }
0x4a: {  	(tm) =	ssettm $0x7FFFFFFF  }
0x4b: {  	_ =	shalt  }
tec
execute0_lowered:
.L_overlay_start_1:
0x0: {  	(tag) =	ssettag $0x1  }
0x1: {  	s0 =	stileid.u32;
	s3 =	rddreg [dreg:$0x0]  }
0x2: {  	s1 =	srdreg.scid;
	s4 =	rddreg [dreg:$0x1]  }
0x3: {  	s7 =	simm.s32 $0x1;
	s2 =	sshll.u32 s0, $0x5;
	s1 =	sshll.u32 s1, $0x9  }
0x4: {  	s31 =	simm.s32 $0x2;
	s15 =	simm.s32 $0x0;
	s1 =	sor.u32 s2, s1  }
0x5: {  	s9 =	simm.s32 $0x1000;
	s10 =	simm.s32 $0x0;
	s2 =	sand.u32 $0x380, s1  }
0x6: {  	s16 =	simm.s32 $0x0;
	s17 =	simm.s32 $0x0;
	s5 =	ssub.s32 $0x2000, s2  }
0x7: {  	s11 =	simm.s32 $0x0;
	s14 =	simm.s32 $0x0;
	s6 =	sand.u32 $0x380, s5  }
.Ltmp0:
0x8: {  	s1 =	rddreg [dreg:$0x2];
	p0 =	sne.s32 s6, $0x0;
	(pc) =	sbr.rel .LBB1_1-.Ltmp0, $4  }
0x9: {  	_ =	strace $0x8000004A;
	s8 =	sshrl.u32 s5, $0xA;
	s7 =	simm.s32 @!p0 $0x0  }
0xa: {  	s12 =	smov.u32 s2;
	s6 =	simm.s32 $0x1;
	s7 =	sadd.s32 s7, s8  }
0xb: {  	s5 =	sand.u32 $0x3, s0;
	[sflag:s6] =	ssyncpa.u1 $0x0;
	s7 =	sshll.u32 s7, $0x3  }
0xc: {  	s13 =	smov.u32 s5;
	[sflag:s31] =	ssyncpa.u1 $0x0;
	s8 =	sor.u32 $0x1, s7  }
.LBB1_4:
0xd: {  	_ =	sdelay $0x3  }
0xe: {  	[tilespmem:v0+s20+$0xFFFFFFA0 ss:$0x1] =	vst.idx.msk $0xffff, v6  }
0xf: {  	v56 =	vld.idx.msk [tilespmem:v1+s19+$0x30 ss:$0x1], $0xffff;
	[tilespmem:v0+s20+$0xFFFFFFB0 ss:$0x1] =	vst.idx.msk $0xffff, v4  }
0x10: {  	v57 =	vld.idx.msk [tilespmem:v1+s19+$0xFFFFFFC0 ss:$0x1], $0xffff;
	[tilespmem:v0+s20+$0xFFFFFFC0 ss:$0x1] =	vst.idx.msk $0xffff, v2  }
0x11: {  	v58 =	vld.idx.msk [tilespmem:v1+s19+$0xFFFFFFD0 ss:$0x1], $0xffff;
	[tilespmem:v0+s20+$0xFFFFFFD0 ss:$0x1] =	vst.idx.msk $0xffff, v3  }
0x12: {  	v59 =	vld.idx.msk [tilespmem:v1+s19+$0xFFFFFFE0 ss:$0x1], $0xffff;
	[tilespmem:v0+s20+$0xFFFFFFE0 ss:$0x1] =	vst.idx.msk $0xffff, v5  }
0x13: {  	v60 =	vld.idx.msk [tilespmem:v1+s19+$0xFFFFFFF0 ss:$0x1], $0xffff;
	[tilespmem:v0+s20+$0xFFFFFFF0 ss:$0x1] =	vst.idx.msk $0xffff, v7  }
0x14: {  	v61 =	vld.idx.msk [tilespmem:v1+s19+$0x0 ss:$0x1], $0xffff;
	[tilespmem:v0+s19+$0x0 ss:$0x1] =	vst.idx.msk $0xffff, v56  }
0x15: {  	v62 =	vld.idx.msk [tilespmem:v1+s19+$0x10 ss:$0x1], $0xffff;
	[tilespmem:v0+s19+$0xFFFFFF90 ss:$0x1] =	vst.idx.msk $0xffff, v57  }
0x16: {  	s17 =	sshll.u32 s17, $0x7;
	v63 =	vld.idx.msk [tilespmem:v1+s19+$0x20 ss:$0x1], $0xffff;
	s28 =	sand.u32 $0x78, s15;
	s21 =	sshll.u32 s15, $0x2;
	[tilespmem:v0+s19+$0xFFFFFFA0 ss:$0x1] =	vst.idx.msk $0xffff, v58  }
0x17: {  	s16 =	sshll.u32 s16, $0x9;
	s30 =	sshrl.u32 s15, $0x1;
	s17 =	sand.u32 $0x180, s17;
	[tilespmem:v0+s19+$0xFFFFFFB0 ss:$0x1] =	vst.idx.msk $0xffff, v59  }
0x18: {  	s31 =	sand.u32 $0x7, s15;
	s29 =	sand.u32 $0x200, s21;
	s17 =	sor.u32 s17, s28;
	[tilespmem:v0+s19+$0xFFFFFFC0 ss:$0x1] =	vst.idx.msk $0xffff, v60  }
0x19: {  	s20 =	sand.u32 $0x180, s30;
	s16 =	sadd.s32 s4, s16;
	s17 =	sor.u32 s29, s17;
	[tilespmem:v0+s19+$0xFFFFFFD0 ss:$0x1] =	vst.idx.msk $0xffff, v61  }
0x1a: {  	s15 =	sshll.u32 s31, $0x12;
	s16 =	sadd.s32 s20, s16;
	s17 =	sshrl.u32 s17, $0x3;
	[tilespmem:v0+s19+$0xFFFFFFE0 ss:$0x1] =	vst.idx.msk $0xffff, v62  }
0x1b: {  	s15 =	sor.u32 $0x80, s15;
	[tilespmem:v0+s19+$0xFFFFFFF0 ss:$0x1] =	vst.idx.msk $0xffff, v63;
	s16 =	sadd.s32 s17, s16  }
0x1c: {  	[hbm4b:s16+s15] =	stream.strided.scatter [tilespmem:s18], [sflag:$0x2], $0x4000, s9, s15, $0x38;
	[tilespmem:$0x10000] =	vst v63  }
.LBB1_5:
0x1d: {  	s18 =	sadd.s32 $0x80, s11  }
0x1e: {  	s15 =	sadd.s32 $0x400, s12;
	s19 =	smov.u32 s12;
	p1 =	sgt.s32 s18, $0x3FF  }
0x1f: {  	s19 =	smov.u32 @p1 s15  }
0x20: {  	s21 =	smov.u32 s13;
	s15 =	sadd.s32 $0x4, s13;
	p2 =	sgt.s32 s19, $0x1FFF  }
0x21: {  	s21 =	smov.u32 @p2 s15  }
0x22: {  	s18 =	simm.s32 @p1 $0x0;
	p1 =	sgt.s32 s21, $0x3  }
0x23: {  	p0 =	slt.u32 s14, $0x2;
	s21 =	smov.u32 @p1 s5;
	p1 =	sne.s32 s14, s8  }
.Ltmp1:
0x24: {  	s20 =	simm.s32 @!p0 $0x2;
	(pc) =	sbr.rel @!p1 .LBB1_6-.Ltmp1, $4  }
0x25: {  	s16 =	smov.u32 s12;
	s17 =	smov.u32 s13;
	_ =	swait.ge @!p0 [sflag:s20], $0x4000  }
0x26: {  	s10 =	sadd.s32 $0x4000, s10;
	[sflag:s20] =	ssyncset.done @!p0 $0x0;
	s19 =	smov.u32 @p2 s2  }
0x27: {  	s15 =	smov.u32 s11;
	[sflag:s20] =	ssyncadd.s32 @!p0 $0xFFFFC000;
	s11 =	smov.u32 s18  }
0x28: {  	s12 =	smov.u32 s19;
	s14 =	sadd.s32 $0x1, s14;
	s13 =	smov.u32 s21  }
.LBB1_1:
0x29: {  	p0 =	sge.u32 s14, s7  }
0x2a: {  	s31 =	sadd.s32 $0xFFFFFFFF, s14;
	s18 =	sshll.u32 @!p0 s12, $0x7  }
0x2b: {  	s19 =	sxor.u32 @!p0 $0xFFFFFFFF, s14;
	s20 =	sand.u32 @!p0 $0x78, s11;
	s21 =	sand.u32 @!p0 $0x380, s18  }
0x2c: {  	s19 =	sshll.u32 @!p0 s19, $0xE;
	s20 =	sor.u32 @!p0 s20, s21;
	s21 =	sshll.u32 @!p0 s13, $0x14  }
0x2d: {  	s18 =	sand.u32 @!p0 $0xFFC00, s18;
	s20 =	sshrl.u32 @!p0 s20, $0x3;
	s21 =	sadd.s32 @!p0 s3, s21  }
0x2e: {  	s18 =	sadd.s32 @!p0 s11, s18;
	s20 =	sadd.s32 @!p0 s20, s21;
	s21 =	sand.u32 @!p0 $0x7, s11  }
0x2f: {  	s19 =	sand.u32 @!p0 $0x4000, s19;
	s18 =	sand.u32 @!p0 $0xFFF80, s18;
	s21 =	sshll.u32 @!p0 s21, $0x12  }
0x30: {  	s18 =	sadd.s32 @!p0 s18, s20;
	s20 =	sor.u32 @!p0 $0x400, s21;
	s21 =	simm.s32 @!p0 $0x2000  }
0x31: {  	[tilespmem:s19], [sflag:$0x1] =	stream.strided.gather @!p0 [hbm4b:s18+s20], $0x4000, s21, s20, $0x38;
	[tilespmem:$0x10000] =	vst v63  }
0x32: {  	p0 =	sge.u32 s31, s7  }
.Ltmp2:
0x33: {  	_ = 	snop;
	(pc) =	sbr.rel @p0 .LBB1_5-.Ltmp2, $1  }
0x34: {  	_ =	sdelay $0x3  }
0x35: {  	s18 =	sand.u32 $0x4000, s10  }
0x36: {  	s19 =	sor.u32 $0x40, s18  }
0x37: {  	v1 =	vmov s19;
	_ =	sdelay $0x1  }
0x38: {  	_ =	swait.ge [sflag:s6], $0x4000  }
0x39: {  	[sflag:s6] =	ssyncset.done $0x0  }
0x3a: {  	s20 =	simm.s32 $0x0;
	[sflag:s6] =	ssyncadd.s32 $0xFFFFC000  }
0x3b: {  	s18 =	sor.u32 $0x8070, s18;
	v7 =	vld.idx.msk [tilespmem:v1+s20+$0x30 ss:$0x1], $0xffff  }
0x3c: {  	v0 =	vmov s18;
	v8 =	vld.idx.msk [tilespmem:v1+s20+$0xFFFFFFC0 ss:$0x1], $0xffff  }
0x3d: {  	v6 =	vld.idx.msk [tilespmem:v1+s20+$0xFFFFFFD0 ss:$0x1], $0xffff  }
0x3e: {  	v4 =	vld.idx.msk [tilespmem:v1+s20+$0xFFFFFFE0 ss:$0x1], $0xffff  }
0x3f: {  	v2 =	vld.idx.msk [tilespmem:v1+s20+$0xFFFFFFF0 ss:$0x1], $0xffff  }
0x40: {  	s31 =	sshll.u32 s14, $0xE;
	v3 =	vld.idx.msk [tilespmem:v1+s20+$0x0 ss:$0x1], $0xffff  }
0x41: {  	s18 =	sand.u32 $0x4000, s31;
	v5 =	vld.idx.msk [tilespmem:v1+s20+$0x10 ss:$0x1], $0xffff;
	[tilespmem:v0+s20+$0x0 ss:$0x1] =	vst.idx.msk $0xffff, v7  }
0x42: {  	s21 =	simm.s32 $0x400;
	s19 =	simm.s32 $0x80;
	s18 =	sor.u32 $0x8000, s18;
	[tilespmem:v0+s20+$0xFFFFFF90 ss:$0x1] =	vst.idx.msk $0xffff, v8;
	v7 =	vld.idx.msk [tilespmem:v1+s20+$0x20 ss:$0x1], $0xffff  }
.LBB1_3:
0x43: {  	p0 =	sne.s32 s21, $0xFE00;
	v8 =	vld.idx.msk [tilespmem:v1+s19+$0x30 ss:$0x1], $0xffff;
	[tilespmem:v0+s20+$0xFFFFFFA0 ss:$0x1] =	vst.idx.msk $0xffff, v6  }
0x44: {  	v9 =	vld.idx.msk [tilespmem:v1+s19+$0xFFFFFFC0 ss:$0x1], $0xffff;
	[tilespmem:v0+s20+$0xFFFFFFB0 ss:$0x1] =	vst.idx.msk $0xffff, v4  }
0x45: {  	v6 =	vld.idx.msk [tilespmem:v1+s19+$0xFFFFFFD0 ss:$0x1], $0xffff;
	[tilespmem:v0+s20+$0xFFFFFFC0 ss:$0x1] =	vst.idx.msk $0xffff, v2  }
.Ltmp3:
0x46: {  	v4 =	vld.idx.msk [tilespmem:v1+s19+$0xFFFFFFE0 ss:$0x1], $0xffff;
	[tilespmem:v0+s20+$0xFFFFFFD0 ss:$0x1] =	vst.idx.msk $0xffff, v3;
	(pc) =	sbr.rel @p0 .LBB1_3-.Ltmp3, $4  }
0x47: {  	v2 =	vld.idx.msk [tilespmem:v1+s19+$0xFFFFFFF0 ss:$0x1], $0xffff;
	[tilespmem:v0+s20+$0xFFFFFFE0 ss:$0x1] =	vst.idx.msk $0xffff, v5  }
0x48: {  	v3 =	vld.idx.msk [tilespmem:v1+s19+$0x0 ss:$0x1], $0xffff;
	[tilespmem:v0+s20+$0xFFFFFFF0 ss:$0x1] =	vst.idx.msk $0xffff, v7;
	s20 =	smov.u32 s19  }
0x49: {  	v5 =	vld.idx.msk [tilespmem:v1+s20+$0x10 ss:$0x1], $0xffff;
	[tilespmem:v0+s20+$0x0 ss:$0x1] =	vst.idx.msk $0xffff, v8  }
0x4a: {  	s19 =	sshra.s32 s21, $0x2;
	s21 =	sadd.s32 $0x200, s21;
	[tilespmem:v0+s20+$0xFFFFFF90 ss:$0x1] =	vst.idx.msk $0xffff, v9;
	v7 =	vld.idx.msk [tilespmem:v1+s20+$0x20 ss:$0x1], $0xffff  }
.Ltmp4:
0x4b: {  	_ = 	snop;
	(pc) =	sbr.rel .LBB1_4-.Ltmp4, $1  }
0x4c: {  	_ =	sdelay $0x3  }
.LBB1_6:
0x4d: {  	_ =	sfence.sel $0x180000  }
0x4e: {  	s2 =	simm.s32 $0x1;
	[bflag:$0x0] =	sbarrier.arrive $0xFFFF  }
0x4f: {  	s31 =	simm.s32 $0x2;
	[sflag:s2] =	ssyncpa.u1 $0x1  }
0x50: {  	[sflag:s31] =	ssyncpa.u1 $0x1  }
0x51: {  	p0 =	sne.s32 s0, $0x0;
	_ =	strace $0x9000004A  }
0x52: {  	s0 =	sadd.s32 @!p0 $0x100000, s1;
	[bflag:$0x2] =	sbarrier.arrive $0xFFFF  }
0x53: {  	[sflag:s0] =	ssyncadd.tile.s32 @!p0 $0x1;
	_ =	shalt  }
.Lfunc_end1:
_tile_overlayer_lowered:
.L_overlay_start_2:
0x54: {  	(tag) =	ssettag $0x2  }
0x55: {  	s0 =	rddreg [dreg:$0x0];
	s2 =	stileid.u32  }
0x56: {  	s1 =	rddreg [dreg:$0x1];
	p0 =	sne.s32 s2, $0x0  }
0x57: {  	s3 =	rddreg [dreg:$0x2];
	[bflag:$0x3] =	sbarrier.arrive $0xFFFF;
	s2 =	simm.s32 @!p0 $0x1C01  }
0x58: {  	[timem:s3], [sflag:s2] =	dma.local @!p0 [hbm:s0], s1  }
0x59: {  	s0 =	simm.s32 @!p0 $0x1  }
0x5a: {  	_ =	swait.ge @!p0 [sflag:s0], s1  }
0x5b: {  	s1 =	ssub.s32 @!p0 $0x0, s1;
	[sflag:s0] =	ssyncset.done @!p0 $0x0  }
0x5c: {  	[sflag:s0] =	ssyncadd.s32 @!p0 s1  }
0x5d: {  	[bflag:$0x3] =	sbarrier.arrive $0xFFFF  }
0x5e: {  	_ =	shalt  }

// kernel: sparse-core-data-format-call.cloned.1.call-start
scs
called_computation_lowered:
.L_overlay_start_0:
0x0: {  	s2 =	sld [smem:$0x3FD9]  }
0x1: {  	s3 =	sld [smem:$0x3FFE];
	_ =	sdelay $0x1  }
0x2: {  	s1 =	srdreg.scid  }
0x3: {  	s0 =	sand.u32 $0x1, s1  }
0x4: {  	s18 =	sshll.u32 s0, $0xA;
	s2 =	sadd.s32 s3, s2  }
0x5: {  	s2 =	sadd.s32 s2, s18  }
0x6: {  	[smem:$0x3FC6] =	sst s2  }
0x7: {  	_ = 	snop  }
0x8: {  	s2 =	sld [smem:$0x3FD0];
	(tm) =	ssettm $0x1  }
0x9: {  	s19 =	sld [smem:$0x3FFB];
	_ =	sdelay $0x3  }
0xa: {  	_ =	strace s19  }
0xb: {  	s3 =	sld [smem:$0x3FFC];
	_ =	sdelay $0x3  }
0xc: {  	_ =	strace s3  }
0xd: {  	s3 =	sld [smem:$0x3FFD];
	_ =	sdelay $0x3  }
0xe: {  	_ =	strace s3  }
0xf: {  	_ =	strace $0x8FFFFFFF  }
0x10: {  	s20 =	sld [smem:$0x3FDB];
	_ =	sdelay $0x1  }
0x11: {  	s4 =	simm.s32 $_scs_section_size  }
0x12: {  	s5 =	simm.s32 $_size__tile_overlayer_lowered;
	s6 =	simm.s32 $_tile_overlayer_lowered  }
0x13: {  	s23 =	simm.s32 $0x1BFF;
	s22 =	sshll.u32 s6, $0x1;
	s3 =	sadd.s32 s4, s20  }
0x14: {  	s7 =	simm.s32 $0x0;
	s21 =	sshll.u32 s5, $0x1;
	s5 =	sadd.s32 s22, s3  }
0x15: {  	[timem:s7], [sflag:s23] =	dma.local [hbm:s5], s21  }
0x16: {  	_ =	swait.ge [sflag:s23], s21  }
0x17: {  	s4 =	ssub.s32 $0x0, s21;
	[sflag:s23] =	ssyncset.done $0x0  }
0x18: {  	[sflag:s23] =	ssyncadd.s32 s4;
	_ =	sdelay $0x1  }
0x19: {  	s24 =	simm.s32 $0x1B8B  }
0x1a: {  	_ =	swait.ge [sflag:s24], $0x1  }
0x1b: {  	[sflag:s24] =	ssyncset.done $0x0  }
0x1c: {  	s26 =	simm.s32 $0x1B8E;
	s25 =	sld [smem:$0x3FFE];
	[sflag:s24] =	ssyncadd.s32 $0xFFFFFFFF  }
0x1d: {  	s27 =	simm.s32 $execute0_lowered;
	[smem:$0x3FD2] =	sst s26  }
0x1e: {  	s5 =	sshll.u32 s27, $0x1;
	_ =	strace $0x8000004F;
	[dreg:$0x1] =	wrdreg $0xFFFFFFFF  }
0x1f: {  	s28 =	simm.s32 $_size_execute0_lowered;
	s3 =	sadd.s32 s3, s5;
	[dreg:$0x0] =	wrdreg $0x0  }
0x20: {  	s5 =	sshll.u32 s28, $0x1;
	[dreg:$0x2] =	wrdreg s3  }
0x21: {  	[dreg:$0x3] =	wrdreg s5  }
0x22: {  	[dreg:$0x4] =	wrdreg $0xC0  }
0x23: {  	_ =	task [dreg:s7], $0x5FFFF  }
0x24: {  	[dreg:$0x1] =	wrdreg $0xFFFFFFFF  }
0x25: {  	[dreg:$0x0] =	wrdreg $0x60  }
0x26: {  	[dreg:$0x2] =	wrdreg s25  }
0x27: {  	[dreg:$0x3] =	wrdreg s2  }
0x28: {  	[dreg:$0x4] =	wrdreg $0x9  }
0x29: {  	_ =	task.clear_ibuf [dreg:s7], $0x5FFFF;
	_ =	strace $0x9000004F  }
0x2a: {  	s29 =	simm.s32 $0x9;
	_ =	strace $0x80000051  }
0x2b: {  	_ =	swait.ge [sflag:s29], $0x1  }
0x2c: {  	[sflag:s29] =	ssyncadd.s32 $0xFFFFFFFF  }
0x2d: {  	_ =	strace $0x90000051  }
0x2e: {  	_ =	sfence  }
0x2f: {  	s30 =	sld [smem:$0x0];
	_ =	sdelay $0x2  }
0x30: {  	s31 =	sshll.u32 s1, $0xD;
	s1 =	sshrl.u32 s1, $0x2  }
0x31: {  	s3 =	sand.u32 $0x4000, s31;
	s1 =	sadd.s32 s1, s30  }
0x32: {  	s0 =	sor.u32 s3, s0;
	s1 =	sshll.u32 s1, $0x11  }
0x33: {  	s0 =	sor.u32 s1, s0  }
0x34: {  	s0 =	sadd.s32 $0x8F2B, s0  }
0x35: {  	[sflag:s0] =	ssyncadd.remote.s32 $0x1  }
0x36: {  	_ =	sfence.sel $0xFFFF  }
0x37: {  	[dreg:$0x0] =	wrdreg $0xFFFFFFFF;
	(pc) =	sbr.abs _section_cstart, $3  }
0x38: {  	[dreg:$0x1] =	wrdreg $0xFFFFFFFF  }
0x39: {  	_ =	task.clear_ibuf [dreg:s7], $0x2FFFF;
	_ =	strace $0x9FFFFFFF  }
0x3a: {  	(tm) =	ssettm $0x7FFFFFFF  }
0x3b: {  	_ =	shalt  }
tec
execute0_lowered:
.L_overlay_start_1:
0x0: {  	(tag) =	ssettag $0x1  }
0x1: {  	s5 =	rddreg [dreg:$0x0]  }
0x2: {  	s0 =	srdreg.scid;
	s3 =	rddreg [dreg:$0x1];
	s7 =	simm.s32 $0x1  }
0x3: {  	s8 =	simm.s32 $0x2;
	s14 =	simm.s32 $0x0;
	s1 =	sshll.u32 s0, $0x4  }
0x4: {  	s9 =	simm.s32 $0x0;
	s0 =	stileid.u32;
	s1 =	sand.u32 $0x10, s1  }
0x5: {  	s15 =	simm.s32 $0x0;
	s16 =	simm.s32 $0x0;
	s1 =	sor.u32 s0, s1  }
0x6: {  	s10 =	simm.s32 $0x0;
	s11 =	simm.s32 $0x0;
	s2 =	sshll.u32 s1, $0x3  }
0x7: {  	s13 =	simm.s32 $0x0;
	s5 =	sadd.s32 $0x101000, s5;
	s6 =	ssub.s32 $0x2000, s2  }
.Ltmp0:
0x8: {  	s1 =	rddreg [dreg:$0x2];
	s4 =	sand.u32 $0xF8, s6;
	(pc) =	sbr.rel .LBB1_1-.Ltmp0, $4  }
0x9: {  	_ =	strace $0x80000050;
	p0 =	sne.s32 s4, $0x0;
	s4 =	simm.s32 $0x1  }
0xa: {  	s6 =	sshrl.u32 s6, $0x8;
	s7 =	simm.s32 @!p0 $0x0;
	[sflag:s4] =	ssyncpa.u1 $0x0  }
0xb: {  	s12 =	smov.u32 s2;
	s7 =	sadd.s32 s7, s6;
	[sflag:s8] =	ssyncpa.u1 $0x0  }
0xc: {  	s8 =	simm.s32 $0x800000;
	s6 =	sshll.u32 s7, $0x1;
	s7 =	sshllo.u32 s7, $0x1  }
.LBB1_7:
0xd: {  	s17 =	sadd.s32 $0x200, s10  }
0xe: {  	s14 =	sadd.s32 $0x4, s11;
	s18 =	smov.u32 s11;
	p1 =	sgt.s32 s17, $0x3FF  }
0xf: {  	s18 =	smov.u32 @p1 s14  }
0x10: {  	s20 =	smov.u32 s12;
	s14 =	sadd.s32 $0x100, s12;
	p2 =	sgt.s32 s18, $0x3  }
0x11: {  	s20 =	smov.u32 @p2 s14  }
0x12: {  	s17 =	simm.s32 @p1 $0x0;
	p1 =	sgt.s32 s20, $0x1FFF  }
0x13: {  	p0 =	slt.u32 s13, $0x2;
	s20 =	smov.u32 @p1 s2;
	p1 =	sne.s32 s13, s7  }
.Ltmp1:
0x14: {  	s19 =	simm.s32 @!p0 $0x2;
	(pc) =	sbr.rel @!p1 .LBB1_8-.Ltmp1, $4  }
0x15: {  	s15 =	smov.u32 s11;
	s16 =	smov.u32 s12;
	_ =	swait.ge @!p0 [sflag:s19], $0x4000  }
0x16: {  	s9 =	sadd.s32 $0x4000, s9;
	[sflag:s19] =	ssyncset.done @!p0 $0x0;
	s18 =	simm.s32 @p2 $0x0  }
0x17: {  	s14 =	smov.u32 s10;
	[sflag:s19] =	ssyncadd.s32 @!p0 $0xFFFFC000;
	s10 =	smov.u32 s17  }
0x18: {  	s11 =	smov.u32 s18;
	s13 =	sadd.s32 $0x1, s13;
	s12 =	smov.u32 s20  }
.LBB1_1:
0x19: {  	p0 =	sge.u32 s13, s6  }
0x1a: {  	s17 =	sshll.u32 @!p0 s11, $0x7  }
0x1b: {  	s18 =	sand.u32 @!p0 $0x78, s10;
	s19 =	sshll.u32 @!p0 s10, $0x2;
	s17 =	sand.u32 @!p0 $0x180, s17  }
0x1c: {  	s31 =	sadd.s32 $0xFFFFFFFF, s13;
	s19 =	sand.u32 @!p0 $0x200, s19;
	s17 =	sor.u32 @!p0 s17, s18  }
0x1d: {  	s18 =	sshll.u32 @!p0 s12, $0x9;
	s17 =	sor.u32 @!p0 s19, s17;
	s19 =	sshrl.u32 @!p0 s10, $0x1  }
0x1e: {  	s20 =	sxor.u32 @!p0 $0xFFFFFFFF, s13;
	s18 =	sadd.s32 @!p0 s5, s18;
	s19 =	sand.u32 @!p0 $0x180, s19  }
0x1f: {  	s20 =	sshll.u32 @!p0 s20, $0xE;
	s18 =	sadd.s32 @!p0 s19, s18;
	s19 =	sand.u32 @!p0 $0x7, s10  }
0x20: {  	s20 =	sand.u32 @!p0 $0x4000, s20;
	s17 =	sshrl.u32 @!p0 s17, $0x3;
	s19 =	sshll.u32 @!p0 s19, $0x12  }
0x21: {  	s17 =	sadd.s32 @!p0 s17, s18;
	s18 =	sor.u32 @!p0 $0x800, s19;
	s19 =	simm.s32 @!p0 $0x1000  }
0x22: {  	[tilespmem:s20], [sflag:$0x1] =	stream.strided.gather @!p0 [hbm4b:s17+s18], $0x4000, s19, s18, $0x38;
	[tilespmem:$0x10000] =	vst v63  }
0x23: {  	p0 =	sge.u32 s31, s6  }
.Ltmp2:
0x24: {  	_ = 	snop;
	(pc) =	sbr.rel @p0 .LBB1_7-.Ltmp2, $1  }
0x25: {  	_ =	sdelay $0x3  }
0x26: {  	s17 =	sshll.u32 s9, $0x2;
	_ =	swait.ge [sflag:s4], $0x4000;
	s31 =	sshll.u32 s13, $0xE  }
0x27: {  	s21 =	simm.s32 $0x0;
	s22 =	simm.s32 $0x0;
	s17 =	sand.u32 $0x10000, s17  }
0x28: {  	s23 =	simm.s32 $0x0;
	[sflag:s4] =	ssyncset.done $0x0;
	s20 =	sshrl.u32 s17, $0x2  }
0x29: {  	s17 =	sand.u32 $0x4000, s31;
	[sflag:s4] =	ssyncadd.s32 $0xFFFFC000;
	s18 =	sor.u32 $0x400, s20  }
0x2a: {  	s19 =	sor.u32 $0x8000, s20;
	s17 =	sor.u32 $0x8000, s17;
	s20 =	sadd.s32 $0x8C00, s20  }
.LBB1_3:
0x2b: {  	v0 =	vmov s19;
	v1 =	vld [tilespmem:s18+$0x270]  }
0x2c: {  	v2 =	vld [tilespmem:s18+$0xFFFFFC10]  }
0x2d: {  	v3 =	vld [tilespmem:s18+$0xFFFFFC20]  }
0x2e: {  	s24 =	sshll.u32 s22, $0x2;
	s25 =	sand.u32 $0x3, s21;
	v4 =	vld [tilespmem:s18+$0xFFFFFC30]  }
0x2f: {  	v5 =	vld [tilespmem:s18+$0xFFFFFC40];
	s26 =	sand.u32 $0xFFFFF800, s24;
	s25 =	sshll.u32 s25, $0x9;
	s24 =	simm.s32 $0x0  }
0x30: {  	v6 =	vld [tilespmem:s18+$0xFFFFFC50];
	s25 =	sor.u32 s25, s26;
	[tilespmem:v0+s24+$0xC70 ss:$0x1] =	vst.idx.msk $0xffff, v1  }
0x31: {  	v7 =	vld [tilespmem:s18+$0x220];
	s25 =	sshrl.u32 s25, $0x2;
	[tilespmem:v0+s24+$0x10 ss:$0x1] =	vst.idx.msk $0xffff, v2  }
0x32: {  	v8 =	vld [tilespmem:s18+$0x230];
	s25 =	sadd.s32 s25, s20;
	[tilespmem:v0+s24+$0x20 ss:$0x1] =	vst.idx.msk $0xffff, v3  }
0x33: {  	v1 =	vmov s25;
	[tilespmem:v0+s24+$0x30 ss:$0x1] =	vst.idx.msk $0xffff, v4;
	v4 =	vld [tilespmem:s18+$0xFFFFFE00]  }
0x34: {  	[tilespmem:v0+s24+$0x40 ss:$0x1] =	vst.idx.msk $0xffff, v5;
	v5 =	vld [tilespmem:s18+$0xFFFFFE10]  }
0x35: {  	[tilespmem:v0+s24+$0x50 ss:$0x1] =	vst.idx.msk $0xffff, v6;
	v6 =	vld [tilespmem:s18+$0xFFFFFE20]  }
0x36: {  	v2 =	vld [tilespmem:s18+$0xFFFFFC60];
	[tilespmem:v0+s24+$0xC20 ss:$0x1] =	vst.idx.msk $0xffff, v7  }
0x37: {  	v3 =	vld [tilespmem:s18+$0xFFFFFC70];
	[tilespmem:v0+s24+$0xC30 ss:$0x1] =	vst.idx.msk $0xffff, v8  }
0x38: {  	[tilespmem:v1+s24+$0xFFFFF800 ss:$0x1] =	vst.idx.msk $0xffff, v4;
	v4 =	vld [tilespmem:s18+$0xFFFFFE50]  }
0x39: {  	[tilespmem:v0+s24+$0x410 ss:$0x1] =	vst.idx.msk $0xffff, v5;
	v5 =	vld [tilespmem:s18+$0xFFFFFE60]  }
0x3a: {  	[tilespmem:v0+s24+$0x420 ss:$0x1] =	vst.idx.msk $0xffff, v6;
	v6 =	vld [tilespmem:s18+$0xFFFFFE70]  }
0x3b: {  	[tilespmem:v0+s24+$0x60 ss:$0x1] =	vst.idx.msk $0xffff, v2;
	v2 =	vld [tilespmem:s18+$0xFFFFFE30]  }
0x3c: {  	[tilespmem:v0+s24+$0x70 ss:$0x1] =	vst.idx.msk $0xffff, v3;
	v3 =	vld [tilespmem:s18+$0xFFFFFE40]  }
0x3d: {  	[tilespmem:v0+s24+$0x450 ss:$0x1] =	vst.idx.msk $0xffff, v4;
	v4 =	vld [tilespmem:s18+$0x20]  }
0x3e: {  	[tilespmem:v0+s24+$0x460 ss:$0x1] =	vst.idx.msk $0xffff, v5;
	v5 =	vld [tilespmem:s18+$0x30]  }
0x3f: {  	[tilespmem:v0+s24+$0x470 ss:$0x1] =	vst.idx.msk $0xffff, v6;
	v6 =	vld [tilespmem:s18+$0x40]  }
0x40: {  	[tilespmem:v0+s24+$0x430 ss:$0x1] =	vst.idx.msk $0xffff, v2;
	v2 =	vld [tilespmem:s18+$0x0]  }
0x41: {  	[tilespmem:v0+s24+$0x440 ss:$0x1] =	vst.idx.msk $0xffff, v3;
	v3 =	vld [tilespmem:s18+$0x10]  }
0x42: {  	[tilespmem:v0+s24+$0x820 ss:$0x1] =	vst.idx.msk $0xffff, v4;
	v4 =	vld [tilespmem:s18+$0x70]  }
0x43: {  	[tilespmem:v0+s24+$0x830 ss:$0x1] =	vst.idx.msk $0xffff, v5;
	v5 =	vld [tilespmem:s18+$0x200]  }
0x44: {  	[tilespmem:v0+s24+$0x840 ss:$0x1] =	vst.idx.msk $0xffff, v6;
	v6 =	vld [tilespmem:s18+$0x210]  }
0x45: {  	[tilespmem:v1+s24+$0xFFFFFC00 ss:$0x1] =	vst.idx.msk $0xffff, v2;
	v2 =	vld [tilespmem:s18+$0x50]  }
0x46: {  	[tilespmem:v0+s24+$0x810 ss:$0x1] =	vst.idx.msk $0xffff, v3;
	v3 =	vld [tilespmem:s18+$0x60]  }
0x47: {  	[tilespmem:v0+s24+$0x870 ss:$0x1] =	vst.idx.msk $0xffff, v4;
	v4 =	vld [tilespmem:s18+$0x240]  }
0x48: {  	[tilespmem:v1+s24+$0x0 ss:$0x1] =	vst.idx.msk $0xffff, v5;
	v5 =	vld [tilespmem:s18+$0x250]  }
0x49: {  	[tilespmem:v0+s24+$0xC10 ss:$0x1] =	vst.idx.msk $0xffff, v6;
	v6 =	vld [tilespmem:s18+$0x260]  }
0x4a: {  	s25 =	sadd.s32 $0x80, s18;
	[tilespmem:v0+s24+$0x850 ss:$0x1] =	vst.idx.msk $0xffff, v2;
	v2 =	vld [tilespmem:s18+$0xFFFFFC00]  }
0x4b: {  	s27 =	simm.s32 $0x8000;
	s26 =	simm.s32 $0x4000;
	[tilespmem:v0+s24+$0x860 ss:$0x1] =	vst.idx.msk $0xffff, v3;
	v3 =	vld [tilespmem:s25+$0x270]  }
.LBB1_4:
0x4c: {  	p0 =	sne.s32 s27, $0xC000;
	v7 =	vld [tilespmem:s25+$0xFFFFFC10];
	[tilespmem:v0+s24+$0xC40 ss:$0x1] =	vst.idx.msk $0xffff, v4  }
0x4d: {  	v4 =	vld [tilespmem:s25+$0xFFFFFC20];
	[tilespmem:v0+s24+$0xC50 ss:$0x1] =	vst.idx.msk $0xffff, v5  }
0x4e: {  	v5 =	vld [tilespmem:s25+$0xFFFFFC30];
	[tilespmem:v0+s24+$0xC60 ss:$0x1] =	vst.idx.msk $0xffff, v6  }
0x4f: {  	v6 =	vld [tilespmem:s25+$0xFFFFFC40];
	[tilespmem:v0+s24+$0x0 ss:$0x1] =	vst.idx.msk $0xffff, v2;
	s24 =	sshra.s32 s26, $0x2;
	s26 =	smov.u32 s27  }
0x50: {  	v2 =	vld [tilespmem:s25+$0xFFFFFC50];
	[tilespmem:v0+s24+$0xC70 ss:$0x1] =	vst.idx.msk $0xffff, v3  }
0x51: {  	[tilespmem:v0+s24+$0x10 ss:$0x1] =	vst.idx.msk $0xffff, v7;
	v3 =	vld [tilespmem:s25+$0xFFFFFC60]  }
0x52: {  	[tilespmem:v0+s24+$0x20 ss:$0x1] =	vst.idx.msk $0xffff, v4;
	v4 =	vld [tilespmem:s25+$0xFFFFFC70]  }
0x53: {  	[tilespmem:v0+s24+$0x30 ss:$0x1] =	vst.idx.msk $0xffff, v5;
	v5 =	vld [tilespmem:s25+$0xFFFFFE00]  }
0x54: {  	[tilespmem:v0+s24+$0x40 ss:$0x1] =	vst.idx.msk $0xffff, v6;
	v6 =	vld [tilespmem:s25+$0xFFFFFE10]  }
0x55: {  	[tilespmem:v0+s24+$0x50 ss:$0x1] =	vst.idx.msk $0xffff, v2;
	v2 =	vld [tilespmem:s25+$0xFFFFFE20]  }
0x56: {  	[tilespmem:v0+s24+$0x60 ss:$0x1] =	vst.idx.msk $0xffff, v3;
	v3 =	vld [tilespmem:s25+$0xFFFFFE30]  }
0x57: {  	[tilespmem:v0+s24+$0x70 ss:$0x1] =	vst.idx.msk $0xffff, v4;
	v4 =	vld [tilespmem:s25+$0xFFFFFE40]  }
0x58: {  	[tilespmem:v1+s24+$0xFFFFF800 ss:$0x1] =	vst.idx.msk $0xffff, v5;
	v5 =	vld [tilespmem:s25+$0xFFFFFE50]  }
0x59: {  	[tilespmem:v0+s24+$0x410 ss:$0x1] =	vst.idx.msk $0xffff, v6;
	v6 =	vld [tilespmem:s25+$0xFFFFFE60]  }
0x5a: {  	[tilespmem:v0+s24+$0x420 ss:$0x1] =	vst.idx.msk $0xffff, v2;
	v2 =	vld [tilespmem:s25+$0xFFFFFE70]  }
0x5b: {  	[tilespmem:v0+s24+$0x430 ss:$0x1] =	vst.idx.msk $0xffff, v3;
	v3 =	vld [tilespmem:s25+$0x0]  }
0x5c: {  	[tilespmem:v0+s24+$0x440 ss:$0x1] =	vst.idx.msk $0xffff, v4;
	v4 =	vld [tilespmem:s25+$0x10]  }
0x5d: {  	[tilespmem:v0+s24+$0x450 ss:$0x1] =	vst.idx.msk $0xffff, v5;
	v5 =	vld [tilespmem:s25+$0x20]  }
0x5e: {  	[tilespmem:v0+s24+$0x460 ss:$0x1] =	vst.idx.msk $0xffff, v6;
	v6 =	vld [tilespmem:s25+$0x30]  }
0x5f: {  	[tilespmem:v0+s24+$0x470 ss:$0x1] =	vst.idx.msk $0xffff, v2;
	v2 =	vld [tilespmem:s25+$0x40]  }
0x60: {  	[tilespmem:v1+s24+$0xFFFFFC00 ss:$0x1] =	vst.idx.msk $0xffff, v3;
	v3 =	vld [tilespmem:s25+$0x50]  }
0x61: {  	[tilespmem:v0+s24+$0x810 ss:$0x1] =	vst.idx.msk $0xffff, v4;
	v4 =	vld [tilespmem:s25+$0x60]  }
0x62: {  	[tilespmem:v0+s24+$0x820 ss:$0x1] =	vst.idx.msk $0xffff, v5;
	v5 =	vld [tilespmem:s25+$0x70]  }
0x63: {  	[tilespmem:v0+s24+$0x830 ss:$0x1] =	vst.idx.msk $0xffff, v6;
	v6 =	vld [tilespmem:s25+$0x200]  }
0x64: {  	[tilespmem:v0+s24+$0x840 ss:$0x1] =	vst.idx.msk $0xffff, v2;
	v2 =	vld [tilespmem:s25+$0x210]  }
0x65: {  	[tilespmem:v0+s24+$0x850 ss:$0x1] =	vst.idx.msk $0xffff, v3;
	v3 =	vld [tilespmem:s25+$0x220]  }
0x66: {  	[tilespmem:v0+s24+$0x860 ss:$0x1] =	vst.idx.msk $0xffff, v4;
	v7 =	vld [tilespmem:s25+$0x230]  }
.Ltmp3:
0x67: {  	[tilespmem:v0+s24+$0x870 ss:$0x1] =	vst.idx.msk $0xffff, v5;
	v4 =	vld [tilespmem:s25+$0x240];
	(pc) =	sbr.rel @p0 .LBB1_4-.Ltmp3, $4  }
0x68: {  	[tilespmem:v1+s24+$0x0 ss:$0x1] =	vst.idx.msk $0xffff, v6;
	v5 =	vld [tilespmem:s25+$0x250]  }
0x69: {  	[tilespmem:v0+s24+$0xC10 ss:$0x1] =	vst.idx.msk $0xffff, v2;
	v6 =	vld [tilespmem:s25+$0x260]  }
0x6a: {  	v2 =	vld [tilespmem:s25+$0xFFFFFC00];
	[tilespmem:v0+s24+$0xC20 ss:$0x1] =	vst.idx.msk $0xffff, v3;
	s25 =	sadd.s32 $0x80, s25  }
0x6b: {  	s27 =	sadd.s32 $0x4000, s27;
	v3 =	vld [tilespmem:s25+$0x270];
	[tilespmem:v0+s24+$0xC30 ss:$0x1] =	vst.idx.msk $0xffff, v7  }
0x6c: {  	_ =	sdelay $0x3  }
0x6d: {  	v7 =	vld [tilespmem:s25+$0xFFFFFC10];
	[tilespmem:v0+s24+$0xC40 ss:$0x1] =	vst.idx.msk $0xffff, v4  }
0x6e: {  	v34 =	vld [tilespmem:s25+$0xFFFFFC20];
	[tilespmem:v0+s24+$0xC50 ss:$0x1] =	vst.idx.msk $0xffff, v5  }
0x6f: {  	v35 =	vld [tilespmem:s25+$0xFFFFFC30];
	[tilespmem:v0+s24+$0xC60 ss:$0x1] =	vst.idx.msk $0xffff, v6  }
0x70: {  	s26 =	sshra.s32 s26, $0x2;
	v36 =	vld [tilespmem:s25+$0xFFFFFC40];
	[tilespmem:v0+s24+$0x0 ss:$0x1] =	vst.idx.msk $0xffff, v2  }
0x71: {  	v37 =	vld [tilespmem:s25+$0xFFFFFC50];
	[tilespmem:v0+s26+$0xC70 ss:$0x1] =	vst.idx.msk $0xffff, v3  }
0x72: {  	v38 =	vld [tilespmem:s25+$0xFFFFFC60];
	[tilespmem:v0+s26+$0x10 ss:$0x1] =	vst.idx.msk $0xffff, v7  }
0x73: {  	v39 =	vld [tilespmem:s25+$0xFFFFFC70];
	[tilespmem:v0+s26+$0x20 ss:$0x1] =	vst.idx.msk $0xffff, v34  }
0x74: {  	v40 =	vld [tilespmem:s25+$0xFFFFFE00];
	[tilespmem:v0+s26+$0x30 ss:$0x1] =	vst.idx.msk $0xffff, v35  }
0x75: {  	v41 =	vld [tilespmem:s25+$0xFFFFFE10];
	[tilespmem:v0+s26+$0x40 ss:$0x1] =	vst.idx.msk $0xffff, v36  }
0x76: {  	v42 =	vld [tilespmem:s25+$0xFFFFFE20];
	[tilespmem:v0+s26+$0x50 ss:$0x1] =	vst.idx.msk $0xffff, v37  }
0x77: {  	v43 =	vld [tilespmem:s25+$0xFFFFFE30];
	[tilespmem:v0+s26+$0x60 ss:$0x1] =	vst.idx.msk $0xffff, v38  }
0x78: {  	v44 =	vld [tilespmem:s25+$0xFFFFFE40];
	[tilespmem:v0+s26+$0x70 ss:$0x1] =	vst.idx.msk $0xffff, v39  }
0x79: {  	v45 =	vld [tilespmem:s25+$0xFFFFFE50];
	[tilespmem:v1+s26+$0xFFFFF800 ss:$0x1] =	vst.idx.msk $0xffff, v40  }
0x7a: {  	v46 =	vld [tilespmem:s25+$0xFFFFFE60];
	[tilespmem:v0+s26+$0x410 ss:$0x1] =	vst.idx.msk $0xffff, v41  }
0x7b: {  	v47 =	vld [tilespmem:s25+$0xFFFFFE70];
	[tilespmem:v0+s26+$0x420 ss:$0x1] =	vst.idx.msk $0xffff, v42  }
0x7c: {  	v48 =	vld [tilespmem:s25+$0x0];
	[tilespmem:v0+s26+$0x430 ss:$0x1] =	vst.idx.msk $0xffff, v43  }
0x7d: {  	v49 =	vld [tilespmem:s25+$0x10];
	[tilespmem:v0+s26+$0x440 ss:$0x1] =	vst.idx.msk $0xffff, v44  }
0x7e: {  	v50 =	vld [tilespmem:s25+$0x20];
	[tilespmem:v0+s26+$0x450 ss:$0x1] =	vst.idx.msk $0xffff, v45  }
0x7f: {  	v51 =	vld [tilespmem:s25+$0x30];
	[tilespmem:v0+s26+$0x460 ss:$0x1] =	vst.idx.msk $0xffff, v46  }
0x80: {  	v52 =	vld [tilespmem:s25+$0x40];
	[tilespmem:v0+s26+$0x470 ss:$0x1] =	vst.idx.msk $0xffff, v47  }
0x81: {  	v53 =	vld [tilespmem:s25+$0x50];
	[tilespmem:v1+s26+$0xFFFFFC00 ss:$0x1] =	vst.idx.msk $0xffff, v48  }
0x82: {  	v54 =	vld [tilespmem:s25+$0x60];
	[tilespmem:v0+s26+$0x810 ss:$0x1] =	vst.idx.msk $0xffff, v49  }
0x83: {  	v55 =	vld [tilespmem:s25+$0x70];
	[tilespmem:v0+s26+$0x820 ss:$0x1] =	vst.idx.msk $0xffff, v50  }
0x84: {  	v56 =	vld [tilespmem:s25+$0x200];
	[tilespmem:v0+s26+$0x830 ss:$0x1] =	vst.idx.msk $0xffff, v51  }
0x85: {  	v57 =	vld [tilespmem:s25+$0x210];
	[tilespmem:v0+s26+$0x840 ss:$0x1] =	vst.idx.msk $0xffff, v52  }
0x86: {  	v58 =	vld [tilespmem:s25+$0x220];
	[tilespmem:v0+s26+$0x850 ss:$0x1] =	vst.idx.msk $0xffff, v53  }
0x87: {  	v59 =	vld [tilespmem:s25+$0x230];
	[tilespmem:v0+s26+$0x860 ss:$0x1] =	vst.idx.msk $0xffff, v54  }
0x88: {  	v60 =	vld [tilespmem:s25+$0x240];
	[tilespmem:v0+s26+$0x870 ss:$0x1] =	vst.idx.msk $0xffff, v55  }
0x89: {  	v61 =	vld [tilespmem:s25+$0x250];
	[tilespmem:v1+s26+$0x0 ss:$0x1] =	vst.idx.msk $0xffff, v56  }
0x8a: {  	v62 =	vld [tilespmem:s25+$0x260];
	s23 =	sadd.s32 $0x1, s23;
	[tilespmem:v0+s26+$0xC10 ss:$0x1] =	vst.idx.msk $0xffff, v57  }
0x8b: {  	v63 =	vld [tilespmem:s25+$0xFFFFFC00];
	p0 =	sne.s32 s23, $0x8;
	[tilespmem:v0+s26+$0xC20 ss:$0x1] =	vst.idx.msk $0xffff, v58  }
.Ltmp4:
0x8c: {  	[tilespmem:v0+s26+$0xC30 ss:$0x1] =	vst.idx.msk $0xffff, v59;
	(pc) =	sbr.rel @p0 .LBB1_3-.Ltmp4, $4  }
0x8d: {  	[tilespmem:v0+s26+$0xC40 ss:$0x1] =	vst.idx.msk $0xffff, v60  }
0x8e: {  	[tilespmem:v0+s26+$0xC50 ss:$0x1] =	vst.idx.msk $0xffff, v61  }
0x8f: {  	s18 =	sadd.s32 $0x800, s18;
	[tilespmem:v0+s26+$0xC60 ss:$0x1] =	vst.idx.msk $0xffff, v62  }
0x90: {  	s22 =	sadd.s32 $0x80, s22;
	s21 =	sadd.s32 $0x1, s21;
	s19 =	sadd.s32 $0x80, s19;
	[tilespmem:v0+s26+$0x0 ss:$0x1] =	vst.idx.msk $0xffff, v63  }
0x91: {  	s16 =	sshll.u32 s16, $0x7;
	s18 =	sand.u32 $0x78, s14  }
0x92: {  	s15 =	sshll.u32 s15, $0x14;
	s31 =	sand.u32 $0x7, s14;
	s19 =	sand.u32 $0x380, s16  }
.Ltmp5:
0x93: {  	s16 =	sand.u32 $0xFFC00, s16;
	s18 =	sor.u32 s19, s18;
	(pc) =	sbr.rel .LBB1_7-.Ltmp5, $4  }
0x94: {  	s15 =	sadd.s32 s3, s15;
	s16 =	sadd.s32 s14, s16;
	s18 =	sshrl.u32 s18, $0x3  }
0x95: {  	s14 =	sshll.u32 s31, $0x12;
	s16 =	sand.u32 $0xFFF80, s16;
	s15 =	sadd.s32 s18, s15  }
0x96: {  	s14 =	sor.u32 $0x1000, s14;
	s15 =	sadd.s32 s16, s15  }
0x97: {  	[hbm4b:s15+s14] =	stream.strided.scatter [tilespmem:s17], [sflag:$0x2], $0x4000, s8, s14, $0x38;
	[tilespmem:$0x10000] =	vst v63  }
.LBB1_8:
0x98: {  	_ =	sfence.sel $0x180000  }
0x99: {  	s2 =	simm.s32 $0x1;
	[bflag:$0x0] =	sbarrier.arrive $0xFFFF  }
0x9a: {  	s31 =	simm.s32 $0x2;
	[sflag:s2] =	ssyncpa.u1 $0x1  }
0x9b: {  	[sflag:s31] =	ssyncpa.u1 $0x1  }
0x9c: {  	p0 =	sne.s32 s0, $0x0;
	_ =	strace $0x90000050  }
0x9d: {  	s0 =	sadd.s32 @!p0 $0x100000, s1;
	[bflag:$0x2] =	sbarrier.arrive $0xFFFF  }
0x9e: {  	[sflag:s0] =	ssyncadd.tile.s32 @!p0 $0x1;
	_ =	shalt  }
.Lfunc_end1:
_tile_overlayer_lowered:
.L_overlay_start_2:
0x9f: {  	(tag) =	ssettag $0x2  }
0xa0: {  	s0 =	rddreg [dreg:$0x0];
	s2 =	stileid.u32  }
0xa1: {  	s1 =	rddreg [dreg:$0x1];
	p0 =	sne.s32 s2, $0x0  }
0xa2: {  	s3 =	rddreg [dreg:$0x2];
	[bflag:$0x3] =	sbarrier.arrive $0xFFFF;
	s2 =	simm.s32 @!p0 $0x1C01  }
0xa3: {  	[timem:s3], [sflag:s2] =	dma.local @!p0 [hbm:s0], s1  }
0xa4: {  	s0 =	simm.s32 @!p0 $0x1  }
0xa5: {  	_ =	swait.ge @!p0 [sflag:s0], s1  }
0xa6: {  	s1 =	ssub.s32 @!p0 $0x0, s1;
	[sflag:s0] =	ssyncset.done @!p0 $0x0  }
0xa7: {  	[sflag:s0] =	ssyncadd.s32 @!p0 s1  }
0xa8: {  	[bflag:$0x3] =	sbarrier.arrive $0xFFFF  }
0xa9: {  	_ =	shalt  }

</sc_bundles>
